<compile_context>
chip_gen: v7x
topology: tpu7x:2x2x1
jax: 0.10.2.dev20260603
libtpu: 0.0.44.dev20260713+nightly
codegen_flags: <defaults>
</compile_context>

<pallas_src>
import functools

import jax
import jax.numpy as jnp
from jax import lax
from jax.experimental import pallas as pl
from jax.experimental.pallas import tpu as pltpu
from jax.experimental.pallas import tpu_sc as plsc

R = 128
N = 32768
K = 3
L = 16
NC = 2
NS = 16
NW = NC * NS
R_SC = 64
R_TC = R - R_SC
TCB = 32
ROWS_PER_W = R_SC // NW
NSETS = 4
SEG = 32
SEGW = SEG * L
NSEG = N // SEGW
G2 = 4
OUTW = 8

NEG = float("-inf")
IMAX = 2**31 - 1


def _scan_insert(m, i, v, iv):
    m1, m2, m3 = m
    i1, i2, i3 = i
    c1 = v > m1
    u1 = jnp.minimum(v, m1)
    nm1 = jnp.maximum(v, m1)
    ni1 = jnp.where(c1, iv, i1)
    iu1 = jnp.where(c1, i1, iv)
    c2 = u1 > m2
    u2 = jnp.minimum(u1, m2)
    nm2 = jnp.maximum(u1, m2)
    ni2 = jnp.where(c2, iu1, i2)
    iu2 = jnp.where(c2, i2, iu1)
    c3 = u2 > m3
    nm3 = jnp.maximum(u2, m3)
    ni3 = jnp.where(c3, iu2, i3)
    return (nm1, nm2, nm3), (ni1, ni2, ni3)


def _lex_insert(m, i, v, iv):
    m1, m2, m3 = m
    i1, i2, i3 = i
    c1 = (v > m1) | ((v == m1) & (iv < i1))
    nm1 = jnp.where(c1, v, m1)
    u1 = jnp.where(c1, m1, v)
    ni1 = jnp.where(c1, iv, i1)
    iu1 = jnp.where(c1, i1, iv)
    c2 = (u1 > m2) | ((u1 == m2) & (iu1 < i2))
    nm2 = jnp.where(c2, u1, m2)
    u2 = jnp.where(c2, m2, u1)
    ni2 = jnp.where(c2, iu1, i2)
    iu2 = jnp.where(c2, i2, iu1)
    c3 = (u2 > m3) | ((u2 == m3) & (iu2 < i3))
    nm3 = jnp.where(c3, u2, m3)
    ni3 = jnp.where(c3, iu2, i3)
    return (nm1, nm2, nm3), (ni1, ni2, ni3)


def _row_topk(load_chunk, seg_store, seg_load, lane,
              fori=lax.fori_loop, cond=lax.cond):
    zf = lane * 0.0

    def pass_a(s, rowmax):
        base = s * SEGW
        vs = [load_chunk(base + u * L) for u in range(SEG)]
        while len(vs) > 1:
            vs = [jnp.maximum(a, b) for a, b in zip(vs[::2], vs[1::2])]
        seg_store(s, vs[0])
        return jnp.maximum(rowmax, vs[0])

    rowmax = fori(0, NSEG, pass_a, zf + NEG)

    m = rowmax
    for _ in range(K - 1):
        mx = jnp.max(m)
        elig = m == mx
        wl = jnp.min(jnp.where(elig, lane, L))
        m = jnp.where(lane == wl, NEG, m)
    tv = zf + jnp.max(m)

    init = (
        tuple((zf + NEG,) * 3 for _ in range(NSETS)),
        tuple((lane * 0 + IMAX,) * 3 for _ in range(NSETS)),
    )

    def seg_process(s, c2):
        segmax = seg_load(s)
        t2 = jnp.any(segmax >= tv)

        def do2(c3):
            def chunk_body(t, c4):
                ms, is_ = list(c4[0]), list(c4[1])
                base = s * SEGW + t * (NSETS * L)
                ivb = lane + base
                for j in range(NSETS):
                    v = load_chunk(base + j * L)
                    ms[j], is_[j] = _scan_insert(ms[j], is_[j], v, ivb + j * L)
                return tuple(ms), tuple(is_)

            return fori(0, SEG // NSETS, chunk_body, c3)

        return cond(t2, do2, lambda c3: c3, c2)

    def pass_b(g, carry):
        s0 = g * G2
        vs = [seg_load(s0 + j) for j in range(G2)]
        while len(vs) > 1:
            vs = [jnp.maximum(a, b) for a, b in zip(vs[::2], vs[1::2])]
        trig = jnp.any(vs[0] >= tv)
        return cond(trig, lambda c: fori(s0, s0 + G2, seg_process, c),
                    lambda c: c, carry)

    ms, is_ = fori(0, NSEG // G2, pass_b, init)

    m0, i0 = ms[0], is_[0]
    for s in range(1, NSETS):
        for j in range(3):
            m0, i0 = _lex_insert(m0, i0, ms[s][j], is_[s][j])

    m1, m2, m3 = m0
    i1, i2, i3 = i0
    rv = zf + NEG
    ri = lane * 0
    for k in range(K):
        mx = jnp.max(m1)
        elig = m1 == mx
        ix = jnp.min(jnp.where(elig, i1, IMAX))
        rv = jnp.where(lane == k, mx, rv)
        ri = jnp.where(lane == k, ix, ri)
        win = elig & (i1 == ix)
        m1 = jnp.where(win, m2, m1)
        i1 = jnp.where(win, i2, i1)
        m2 = jnp.where(win, m3, m2)
        i2 = jnp.where(win, i3, i2)
        m3 = jnp.where(win, NEG, m3)
        i3 = jnp.where(win, IMAX, i3)
    return rv, ri


@functools.cache
def _make_topk():
    mesh = plsc.VectorSubcoreMesh(
        core_axis_name="c", subcore_axis_name="s", num_cores=NC, num_subcores=NS
    )

    @functools.partial(
        pl.kernel,
        out_type=(
            jax.ShapeDtypeStruct((R_SC * OUTW,), jnp.float32),
            jax.ShapeDtypeStruct((R_SC * OUTW,), jnp.int32),
        ),
        mesh=mesh,
        compiler_params=pltpu.CompilerParams(
            needs_layout_passes=False,
            skip_device_barrier=True,
            disable_bounds_checks=True,
        ),
        scratch_types=[
            pltpu.VMEM((2 * N,), jnp.float32),
            pltpu.VMEM((NSEG * L,), jnp.float32),
            pltpu.VMEM((ROWS_PER_W * OUTW + L,), jnp.float32),
            pltpu.VMEM((ROWS_PER_W * OUTW + L,), jnp.int32),
            pltpu.SemaphoreType.DMA,
        ],
    )
    def k(x_hbm, outv_hbm, outi_hbm, buf, segbuf, rvf, rif, sem):
        wid = lax.axis_index("s") * NC + lax.axis_index("c")
        lane = lax.iota(jnp.int32, L)
        base_row = wid * ROWS_PER_W
        pltpu.async_copy(x_hbm.at[base_row], buf.at[pl.ds(0, N)], sem)

        def row_body(r, carry):
            boff = (r & 1) * N
            pltpu.make_async_copy(
                x_hbm.at[base_row + r], buf.at[pl.ds(boff, N)], sem
            ).wait()

            @pl.when(r < ROWS_PER_W - 1)
            def _prefetch():
                pltpu.async_copy(
                    x_hbm.at[base_row + r + 1], buf.at[pl.ds(N - boff, N)], sem
                )

            rv, ri = _row_topk(
                lambda off: buf[pl.ds(boff + off, L)],
                lambda s, v: segbuf.__setitem__(pl.ds(s * L, L), v),
                lambda s: segbuf[pl.ds(s * L, L)],
                lane,
            )
            msk = lane < OUTW
            plsc.store_compressed(rvf.at[pl.ds(r * OUTW, L)], rv, mask=msk)
            plsc.store_compressed(rif.at[pl.ds(r * OUTW, L)], ri, mask=msk)
            return carry

        lax.fori_loop(0, ROWS_PER_W, row_body, 0)
        nout = ROWS_PER_W * OUTW
        pltpu.sync_copy(rvf.at[pl.ds(0, nout)], outv_hbm.at[pl.ds(base_row * OUTW, nout)])
        pltpu.sync_copy(rif.at[pl.ds(0, nout)], outi_hbm.at[pl.ds(base_row * OUTW, nout)])

    return k


def _tc_body(x_ref, v_ref, i_ref):
    x = x_ref[...]
    iota = lax.broadcasted_iota(jnp.int32, (TCB, N), 1)
    vs, is_ = [], []
    for _ in range(K):
        m = jnp.max(x, axis=1, keepdims=True)
        idx = jnp.min(jnp.where(x == m, iota, IMAX), axis=1, keepdims=True)
        x = jnp.where(iota == idx, NEG, x)
        vs.append(m)
        is_.append(idx)
    v_ref[...] = jnp.concatenate(vs, axis=1)
    i_ref[...] = jnp.concatenate(is_, axis=1)


@functools.cache
def _make_tc_topk():
    return pl.pallas_call(
        _tc_body,
        grid=(R_TC // TCB,),
        in_specs=[pl.BlockSpec((TCB, N), lambda i: (i + R_SC // TCB, 0))],
        out_specs=[
            pl.BlockSpec((TCB, K), lambda i: (i, 0)),
            pl.BlockSpec((TCB, K), lambda i: (i, 0)),
        ],
        out_shape=(
            jax.ShapeDtypeStruct((R_TC, K), jnp.float32),
            jax.ShapeDtypeStruct((R_TC, K), jnp.int32),
        ),
    )


def kernel(x):
    tc_v, tc_i = _make_tc_topk()(x)
    sc_v, sc_i = _make_topk()(x)
    vals = jnp.concatenate([sc_v.reshape(R_SC, OUTW)[:, :K], tc_v], axis=0)
    idxs = jnp.concatenate([sc_i.reshape(R_SC, OUTW)[:, :K], tc_i], axis=0)
    return vals, idxs

# --- scband reference (transcript-rebuilt; emitter-appended) ---
"""Pipeline reference for scband-beam-search-75797582840329 (READ-ONLY COPY).

The authoritative reference and input builder live on the scoring server;
editing this copy changes nothing except your own understanding.
"""

import jax, jax.numpy as jnp
import numpy as np


def setup_inputs(seed: int = 0) -> dict:
    key = jax.random.key(seed)
    x = jax.random.normal(key, (128, 32768), dtype=jnp.float32)
    return {"x": x}


def reference(x):
    # Faithful translation of torch.topk(x, 3) over the last dim:
    # returns (values, indices), both sorted in descending order of value.
    values, indexes = jax.lax.top_k(x, 3)
    return (values, indexes)

if __name__ == "__main__":
    import jax
    _d = setup_inputs()
    print(jax.jit(kernel)(*tuple(_d.values())))

</pallas_src>

<mosaic_0001>
#map = affine_map<(d0, d1) -> (0, 0)>
#map1 = affine_map<(d0, d1) -> (0)>
module attributes {stable_mosaic.version = 14 : i64} {
  func.func @k(%arg0: i32, %arg1: i32, %arg2: memref<128x32768xf32, #tpu.memory_space<hbm>>, %arg3: memref<512xf32, #tpu.memory_space<hbm>>, %arg4: memref<512xi32, #tpu.memory_space<hbm>>, %arg5: memref<65536xf32, #tpu.memory_space<vmem>>, %arg6: memref<1024xf32, #tpu.memory_space<vmem>>, %arg7: memref<32xf32, #tpu.memory_space<vmem>>, %arg8: memref<32xi32, #tpu.memory_space<vmem>>, %arg9: memref<!tpu.dma_semaphore, #tpu.memory_space<semaphore_mem>>) attributes {dimension_semantics = [#tpu.dimension_semantics<core_parallel>, #tpu.dimension_semantics<subcore_parallel>], iteration_bounds = array<i64: 2, 16>, scalar_prefetch = 0 : i64, scratch_operands = 5 : i64, tpu.core_type = #tpu.core_type<sc_vector_subcore>, window_params = [{transform_indices = #map}, {transform_indices = #map1}, {transform_indices = #map1}]} {
    %mul3A = arith.constant 2 : i32
    %mul3A_0 = arith.muli %arg1, %mul3A : i32
    %add3A = arith.addi %mul3A_0, %arg0 : i32
    %iota3A = tpu.iota {dimensions = array<i32: 0>} : vector<16xi32>
    %mul3A_1 = arith.constant 2 : i32
    %mul3A_2 = arith.muli %add3A, %mul3A_1 : i32
    %dma_start3A = arith.constant 0 : i32
    %dma_start3A_3 = tpu.memref_slice %arg5[%dma_start3A] : memref<65536xf32, #tpu.memory_space<vmem>> -> memref<32768xf32, #tpu.memory_space<vmem>>
    %dma_start3A_4 = arith.constant 0 : i32
    %dma_start3A_5 = tpu.memref_slice %arg2[%mul3A_2, %dma_start3A_4] : memref<128x32768xf32, #tpu.memory_space<hbm>> -> memref<1x32768xf32, #tpu.memory_space<hbm>>
    %dma_start3A_6 = tpu.memref_squeeze %dma_start3A_5 : memref<1x32768xf32, #tpu.memory_space<hbm>> -> memref<32768xf32, #tpu.memory_space<hbm>>
    %dma_start3A_7 = arith.constant 0 : i32
    %dma_start3A_8 = tpu.memref_slice %arg5[%dma_start3A_7] : memref<65536xf32, #tpu.memory_space<vmem>> -> memref<32768xf32, #tpu.memory_space<vmem>>
    %dma_start3A_9 = arith.constant 0 : i32
    %dma_start3A_10 = tpu.memref_slice %arg2[%mul3A_2, %dma_start3A_9] : memref<128x32768xf32, #tpu.memory_space<hbm>> -> memref<1x32768xf32, #tpu.memory_space<hbm>>
    %dma_start3A_11 = tpu.memref_squeeze %dma_start3A_10 : memref<1x32768xf32, #tpu.memory_space<hbm>> -> memref<32768xf32, #tpu.memory_space<hbm>>
    tpu.enqueue_dma source(%dma_start3A_11 : memref<32768xf32, #tpu.memory_space<hbm>>) target(%dma_start3A_8 : memref<32768xf32, #tpu.memory_space<vmem>>) target_semaphore(%arg9 : memref<!tpu.dma_semaphore, #tpu.memory_space<semaphore_mem>>)
    %scan3A = arith.constant 0 : i32
    %scan3A_12 = arith.constant 0 : i32
    %scan3A_13 = arith.constant 2 : i32
    %scan3A_14 = arith.addi %scan3A_12, %scan3A_13 : i32
    %scan3A_15 = arith.constant 1 : i32
    scf.for %scan3A_21 = %scan3A_12 to %scan3A_14 step %scan3A_15  : i32 {
      %and3A = arith.constant 1 : i32
      %and3A_22 = arith.andi %scan3A_21, %and3A : i32
      %mul3A_23 = arith.constant 32768 : i32
      %mul3A_24 = arith.muli %and3A_22, %mul3A_23 : i32
      %add3A_25 = arith.addi %mul3A_2, %scan3A_21 : i32
      %dma_wait3A = tpu.memref_slice %arg5[%mul3A_24] : memref<65536xf32, #tpu.memory_space<vmem>> -> memref<32768xf32, #tpu.memory_space<vmem>>
      %dma_wait3A_26 = arith.constant 0 : i32
      %dma_wait3A_27 = tpu.memref_slice %arg2[%add3A_25, %dma_wait3A_26] : memref<128x32768xf32, #tpu.memory_space<hbm>> -> memref<1x32768xf32, #tpu.memory_space<hbm>>
      %dma_wait3A_28 = tpu.memref_squeeze %dma_wait3A_27 : memref<1x32768xf32, #tpu.memory_space<hbm>> -> memref<32768xf32, #tpu.memory_space<hbm>>
      %dma_wait3A_29 = tpu.memref_slice %arg5[%mul3A_24] : memref<65536xf32, #tpu.memory_space<vmem>> -> memref<32768xf32, #tpu.memory_space<vmem>>
      %dma_wait3A_30 = arith.constant 0 : i32
      %dma_wait3A_31 = tpu.memref_slice %arg2[%add3A_25, %dma_wait3A_30] : memref<128x32768xf32, #tpu.memory_space<hbm>> -> memref<1x32768xf32, #tpu.memory_space<hbm>>
      %dma_wait3A_32 = tpu.memref_squeeze %dma_wait3A_31 : memref<1x32768xf32, #tpu.memory_space<hbm>> -> memref<32768xf32, #tpu.memory_space<hbm>>
      tpu.wait_dma2 semaphore(%arg9 : memref<!tpu.dma_semaphore, #tpu.memory_space<semaphore_mem>>) src(%dma_wait3A_32 : memref<32768xf32, #tpu.memory_space<hbm>>) dst(%dma_wait3A_29 : memref<32768xf32, #tpu.memory_space<vmem>>)
      %lt3A = arith.constant 1 : i32
      %lt3A_33 = arith.cmpi slt, %scan3A_21, %lt3A : i32
      %convert_element_type3A = arith.extui %lt3A_33 : i1 to i32
      %cond3A = arith.constant 0 : i32
      %cond3A_34 = arith.cmpi ne, %convert_element_type3A, %cond3A : i32
      scf.if %cond3A_34 {
        %add3A_493 = arith.addi %mul3A_2, %scan3A_21 : i32
        %add3A_494 = arith.constant 1 : i32
        %add3A_495 = arith.addi %add3A_493, %add3A_494 : i32
        %sub3A = arith.constant 32768 : i32
        %sub3A_496 = arith.subi %sub3A, %mul3A_24 : i32
        %dma_start3A_497 = tpu.memref_slice %arg5[%sub3A_496] : memref<65536xf32, #tpu.memory_space<vmem>> -> memref<32768xf32, #tpu.memory_space<vmem>>
        %dma_start3A_498 = arith.constant 0 : i32
        %dma_start3A_499 = tpu.memref_slice %arg2[%add3A_495, %dma_start3A_498] : memref<128x32768xf32, #tpu.memory_space<hbm>> -> memref<1x32768xf32, #tpu.memory_space<hbm>>
        %dma_start3A_500 = tpu.memref_squeeze %dma_start3A_499 : memref<1x32768xf32, #tpu.memory_space<hbm>> -> memref<32768xf32, #tpu.memory_space<hbm>>
        %dma_start3A_501 = tpu.memref_slice %arg5[%sub3A_496] : memref<65536xf32, #tpu.memory_space<vmem>> -> memref<32768xf32, #tpu.memory_space<vmem>>
        %dma_start3A_502 = arith.constant 0 : i32
        %dma_start3A_503 = tpu.memref_slice %arg2[%add3A_495, %dma_start3A_502] : memref<128x32768xf32, #tpu.memory_space<hbm>> -> memref<1x32768xf32, #tpu.memory_space<hbm>>
        %dma_start3A_504 = tpu.memref_squeeze %dma_start3A_503 : memref<1x32768xf32, #tpu.memory_space<hbm>> -> memref<32768xf32, #tpu.memory_space<hbm>>
        tpu.enqueue_dma source(%dma_start3A_504 : memref<32768xf32, #tpu.memory_space<hbm>>) target(%dma_start3A_501 : memref<32768xf32, #tpu.memory_space<vmem>>) target_semaphore(%arg9 : memref<!tpu.dma_semaphore, #tpu.memory_space<semaphore_mem>>)
      } else {
      }
      %convert_element_type3A_35 = arith.sitofp %iota3A : vector<16xi32> to vector<16xf32>
      %mul3A_36 = arith.constant 0.000000e+00 : f32
      %mul3A_37 = vector.broadcast %mul3A_36 : f32 to vector<16xf32>
      %mul3A_38 = arith.mulf %convert_element_type3A_35, %mul3A_37 : vector<16xf32>
      %add3A_39 = arith.constant 0xFF800000 : f32
      %add3A_40 = vector.broadcast %add3A_39 : f32 to vector<16xf32>
      %add3A_41 = arith.addf %mul3A_38, %add3A_40 : vector<16xf32>
      %scan3A_42 = arith.constant 0 : i32
      %scan3A_43 = arith.constant 64 : i32
      %scan3A_44 = arith.addi %scan3A_42, %scan3A_43 : i32
      %scan3A_45 = arith.constant 1 : i32
      %scan3A_46 = scf.for %scan3A_493 = %scan3A_42 to %scan3A_44 step %scan3A_45 iter_args(%scan3A_494 = %add3A_41) -> (vector<16xf32>)  : i32 {
        %mul3A_495 = arith.constant 512 : i32
        %mul3A_496 = arith.muli %scan3A_493, %mul3A_495 : i32
        %add3A_497 = arith.constant 0 : i32
        %add3A_498 = arith.addi %mul3A_496, %add3A_497 : i32
        %add3A_499 = arith.addi %mul3A_24, %add3A_498 : i32
        %get3A = arith.index_cast %add3A_499 : i32 to index
        %get3A_500 = tpu.vector_load %arg5[%get3A] {strides = array<i32>} : memref<65536xf32, #tpu.memory_space<vmem>>, vector<16xf32>,
        %add3A_501 = arith.constant 16 : i32
        %add3A_502 = arith.addi %mul3A_496, %add3A_501 : i32
        %add3A_503 = arith.addi %mul3A_24, %add3A_502 : i32
        %get3A_504 = arith.index_cast %add3A_503 : i32 to index
        %get3A_505 = tpu.vector_load %arg5[%get3A_504] {strides = array<i32>} : memref<65536xf32, #tpu.memory_space<vmem>>, vector<16xf32>,
        %add3A_506 = arith.constant 32 : i32
        %add3A_507 = arith.addi %mul3A_496, %add3A_506 : i32
        %add3A_508 = arith.addi %mul3A_24, %add3A_507 : i32
        %get3A_509 = arith.index_cast %add3A_508 : i32 to index
        %get3A_510 = tpu.vector_load %arg5[%get3A_509] {strides = array<i32>} : memref<65536xf32, #tpu.memory_space<vmem>>, vector<16xf32>,
        %add3A_511 = arith.constant 48 : i32
        %add3A_512 = arith.addi %mul3A_496, %add3A_511 : i32
        %add3A_513 = arith.addi %mul3A_24, %add3A_512 : i32
        %get3A_514 = arith.index_cast %add3A_513 : i32 to index
        %get3A_515 = tpu.vector_load %arg5[%get3A_514] {strides = array<i32>} : memref<65536xf32, #tpu.memory_space<vmem>>, vector<16xf32>,
        %add3A_516 = arith.constant 64 : i32
        %add3A_517 = arith.addi %mul3A_496, %add3A_516 : i32
        %add3A_518 = arith.addi %mul3A_24, %add3A_517 : i32
        %get3A_519 = arith.index_cast %add3A_518 : i32 to index
        %get3A_520 = tpu.vector_load %arg5[%get3A_519] {strides = array<i32>} : memref<65536xf32, #tpu.memory_space<vmem>>, vector<16xf32>,
        %add3A_521 = arith.constant 80 : i32
        %add3A_522 = arith.addi %mul3A_496, %add3A_521 : i32
        %add3A_523 = arith.addi %mul3A_24, %add3A_522 : i32
        %get3A_524 = arith.index_cast %add3A_523 : i32 to index
        %get3A_525 = tpu.vector_load %arg5[%get3A_524] {strides = array<i32>} : memref<65536xf32, #tpu.memory_space<vmem>>, vector<16xf32>,
        %add3A_526 = arith.constant 96 : i32
        %add3A_527 = arith.addi %mul3A_496, %add3A_526 : i32
        %add3A_528 = arith.addi %mul3A_24, %add3A_527 : i32
        %get3A_529 = arith.index_cast %add3A_528 : i32 to index
        %get3A_530 = tpu.vector_load %arg5[%get3A_529] {strides = array<i32>} : memref<65536xf32, #tpu.memory_space<vmem>>, vector<16xf32>,
        %add3A_531 = arith.constant 112 : i32
        %add3A_532 = arith.addi %mul3A_496, %add3A_531 : i32
        %add3A_533 = arith.addi %mul3A_24, %add3A_532 : i32
        %get3A_534 = arith.index_cast %add3A_533 : i32 to index
        %get3A_535 = tpu.vector_load %arg5[%get3A_534] {strides = array<i32>} : memref<65536xf32, #tpu.memory_space<vmem>>, vector<16xf32>,
        %add3A_536 = arith.constant 128 : i32
        %add3A_537 = arith.addi %mul3A_496, %add3A_536 : i32
        %add3A_538 = arith.addi %mul3A_24, %add3A_537 : i32
        %get3A_539 = arith.index_cast %add3A_538 : i32 to index
        %get3A_540 = tpu.vector_load %arg5[%get3A_539] {strides = array<i32>} : memref<65536xf32, #tpu.memory_space<vmem>>, vector<16xf32>,
        %add3A_541 = arith.constant 144 : i32
        %add3A_542 = arith.addi %mul3A_496, %add3A_541 : i32
        %add3A_543 = arith.addi %mul3A_24, %add3A_542 : i32
        %get3A_544 = arith.index_cast %add3A_543 : i32 to index
        %get3A_545 = tpu.vector_load %arg5[%get3A_544] {strides = array<i32>} : memref<65536xf32, #tpu.memory_space<vmem>>, vector<16xf32>,
        %add3A_546 = arith.constant 160 : i32
        %add3A_547 = arith.addi %mul3A_496, %add3A_546 : i32
        %add3A_548 = arith.addi %mul3A_24, %add3A_547 : i32
        %get3A_549 = arith.index_cast %add3A_548 : i32 to index
        %get3A_550 = tpu.vector_load %arg5[%get3A_549] {strides = array<i32>} : memref<65536xf32, #tpu.memory_space<vmem>>, vector<16xf32>,
        %add3A_551 = arith.constant 176 : i32
        %add3A_552 = arith.addi %mul3A_496, %add3A_551 : i32
        %add3A_553 = arith.addi %mul3A_24, %add3A_552 : i32
        %get3A_554 = arith.index_cast %add3A_553 : i32 to index
        %get3A_555 = tpu.vector_load %arg5[%get3A_554] {strides = array<i32>} : memref<65536xf32, #tpu.memory_space<vmem>>, vector<16xf32>,
        %add3A_556 = arith.constant 192 : i32
        %add3A_557 = arith.addi %mul3A_496, %add3A_556 : i32
        %add3A_558 = arith.addi %mul3A_24, %add3A_557 : i32
        %get3A_559 = arith.index_cast %add3A_558 : i32 to index
        %get3A_560 = tpu.vector_load %arg5[%get3A_559] {strides = array<i32>} : memref<65536xf32, #tpu.memory_space<vmem>>, vector<16xf32>,
        %add3A_561 = arith.constant 208 : i32
        %add3A_562 = arith.addi %mul3A_496, %add3A_561 : i32
        %add3A_563 = arith.addi %mul3A_24, %add3A_562 : i32
        %get3A_564 = arith.index_cast %add3A_563 : i32 to index
        %get3A_565 = tpu.vector_load %arg5[%get3A_564] {strides = array<i32>} : memref<65536xf32, #tpu.memory_space<vmem>>, vector<16xf32>,
        %add3A_566 = arith.constant 224 : i32
        %add3A_567 = arith.addi %mul3A_496, %add3A_566 : i32
        %add3A_568 = arith.addi %mul3A_24, %add3A_567 : i32
        %get3A_569 = arith.index_cast %add3A_568 : i32 to index
        %get3A_570 = tpu.vector_load %arg5[%get3A_569] {strides = array<i32>} : memref<65536xf32, #tpu.memory_space<vmem>>, vector<16xf32>,
        %add3A_571 = arith.constant 240 : i32
        %add3A_572 = arith.addi %mul3A_496, %add3A_571 : i32
        %add3A_573 = arith.addi %mul3A_24, %add3A_572 : i32
        %get3A_574 = arith.index_cast %add3A_573 : i32 to index
        %get3A_575 = tpu.vector_load %arg5[%get3A_574] {strides = array<i32>} : memref<65536xf32, #tpu.memory_space<vmem>>, vector<16xf32>,
        %add3A_576 = arith.constant 256 : i32
        %add3A_577 = arith.addi %mul3A_496, %add3A_576 : i32
        %add3A_578 = arith.addi %mul3A_24, %add3A_577 : i32
        %get3A_579 = arith.index_cast %add3A_578 : i32 to index
        %get3A_580 = tpu.vector_load %arg5[%get3A_579] {strides = array<i32>} : memref<65536xf32, #tpu.memory_space<vmem>>, vector<16xf32>,
        %add3A_581 = arith.constant 272 : i32
        %add3A_582 = arith.addi %mul3A_496, %add3A_581 : i32
        %add3A_583 = arith.addi %mul3A_24, %add3A_582 : i32
        %get3A_584 = arith.index_cast %add3A_583 : i32 to index
        %get3A_585 = tpu.vector_load %arg5[%get3A_584] {strides = array<i32>} : memref<65536xf32, #tpu.memory_space<vmem>>, vector<16xf32>,
        %add3A_586 = arith.constant 288 : i32
        %add3A_587 = arith.addi %mul3A_496, %add3A_586 : i32
        %add3A_588 = arith.addi %mul3A_24, %add3A_587 : i32
        %get3A_589 = arith.index_cast %add3A_588 : i32 to index
        %get3A_590 = tpu.vector_load %arg5[%get3A_589] {strides = array<i32>} : memref<65536xf32, #tpu.memory_space<vmem>>, vector<16xf32>,
        %add3A_591 = arith.constant 304 : i32
        %add3A_592 = arith.addi %mul3A_496, %add3A_591 : i32
        %add3A_593 = arith.addi %mul3A_24, %add3A_592 : i32
        %get3A_594 = arith.index_cast %add3A_593 : i32 to index
        %get3A_595 = tpu.vector_load %arg5[%get3A_594] {strides = array<i32>} : memref<65536xf32, #tpu.memory_space<vmem>>, vector<16xf32>,
        %add3A_596 = arith.constant 320 : i32
        %add3A_597 = arith.addi %mul3A_496, %add3A_596 : i32
        %add3A_598 = arith.addi %mul3A_24, %add3A_597 : i32
        %get3A_599 = arith.index_cast %add3A_598 : i32 to index
        %get3A_600 = tpu.vector_load %arg5[%get3A_599] {strides = array<i32>} : memref<65536xf32, #tpu.memory_space<vmem>>, vector<16xf32>,
        %add3A_601 = arith.constant 336 : i32
        %add3A_602 = arith.addi %mul3A_496, %add3A_601 : i32
        %add3A_603 = arith.addi %mul3A_24, %add3A_602 : i32
        %get3A_604 = arith.index_cast %add3A_603 : i32 to index
        %get3A_605 = tpu.vector_load %arg5[%get3A_604] {strides = array<i32>} : memref<65536xf32, #tpu.memory_space<vmem>>, vector<16xf32>,
        %add3A_606 = arith.constant 352 : i32
        %add3A_607 = arith.addi %mul3A_496, %add3A_606 : i32
        %add3A_608 = arith.addi %mul3A_24, %add3A_607 : i32
        %get3A_609 = arith.index_cast %add3A_608 : i32 to index
        %get3A_610 = tpu.vector_load %arg5[%get3A_609] {strides = array<i32>} : memref<65536xf32, #tpu.memory_space<vmem>>, vector<16xf32>,
        %add3A_611 = arith.constant 368 : i32
        %add3A_612 = arith.addi %mul3A_496, %add3A_611 : i32
        %add3A_613 = arith.addi %mul3A_24, %add3A_612 : i32
        %get3A_614 = arith.index_cast %add3A_613 : i32 to index
        %get3A_615 = tpu.vector_load %arg5[%get3A_614] {strides = array<i32>} : memref<65536xf32, #tpu.memory_space<vmem>>, vector<16xf32>,
        %add3A_616 = arith.constant 384 : i32
        %add3A_617 = arith.addi %mul3A_496, %add3A_616 : i32
        %add3A_618 = arith.addi %mul3A_24, %add3A_617 : i32
        %get3A_619 = arith.index_cast %add3A_618 : i32 to index
        %get3A_620 = tpu.vector_load %arg5[%get3A_619] {strides = array<i32>} : memref<65536xf32, #tpu.memory_space<vmem>>, vector<16xf32>,
        %add3A_621 = arith.constant 400 : i32
        %add3A_622 = arith.addi %mul3A_496, %add3A_621 : i32
        %add3A_623 = arith.addi %mul3A_24, %add3A_622 : i32
        %get3A_624 = arith.index_cast %add3A_623 : i32 to index
        %get3A_625 = tpu.vector_load %arg5[%get3A_624] {strides = array<i32>} : memref<65536xf32, #tpu.memory_space<vmem>>, vector<16xf32>,
        %add3A_626 = arith.constant 416 : i32
        %add3A_627 = arith.addi %mul3A_496, %add3A_626 : i32
        %add3A_628 = arith.addi %mul3A_24, %add3A_627 : i32
        %get3A_629 = arith.index_cast %add3A_628 : i32 to index
        %get3A_630 = tpu.vector_load %arg5[%get3A_629] {strides = array<i32>} : memref<65536xf32, #tpu.memory_space<vmem>>, vector<16xf32>,
        %add3A_631 = arith.constant 432 : i32
        %add3A_632 = arith.addi %mul3A_496, %add3A_631 : i32
        %add3A_633 = arith.addi %mul3A_24, %add3A_632 : i32
        %get3A_634 = arith.index_cast %add3A_633 : i32 to index
        %get3A_635 = tpu.vector_load %arg5[%get3A_634] {strides = array<i32>} : memref<65536xf32, #tpu.memory_space<vmem>>, vector<16xf32>,
        %add3A_636 = arith.constant 448 : i32
        %add3A_637 = arith.addi %mul3A_496, %add3A_636 : i32
        %add3A_638 = arith.addi %mul3A_24, %add3A_637 : i32
        %get3A_639 = arith.index_cast %add3A_638 : i32 to index
        %get3A_640 = tpu.vector_load %arg5[%get3A_639] {strides = array<i32>} : memref<65536xf32, #tpu.memory_space<vmem>>, vector<16xf32>,
        %add3A_641 = arith.constant 464 : i32
        %add3A_642 = arith.addi %mul3A_496, %add3A_641 : i32
        %add3A_643 = arith.addi %mul3A_24, %add3A_642 : i32
        %get3A_644 = arith.index_cast %add3A_643 : i32 to index
        %get3A_645 = tpu.vector_load %arg5[%get3A_644] {strides = array<i32>} : memref<65536xf32, #tpu.memory_space<vmem>>, vector<16xf32>,
        %add3A_646 = arith.constant 480 : i32
        %add3A_647 = arith.addi %mul3A_496, %add3A_646 : i32
        %add3A_648 = arith.addi %mul3A_24, %add3A_647 : i32
        %get3A_649 = arith.index_cast %add3A_648 : i32 to index
        %get3A_650 = tpu.vector_load %arg5[%get3A_649] {strides = array<i32>} : memref<65536xf32, #tpu.memory_space<vmem>>, vector<16xf32>,
        %add3A_651 = arith.constant 496 : i32
        %add3A_652 = arith.addi %mul3A_496, %add3A_651 : i32
        %add3A_653 = arith.addi %mul3A_24, %add3A_652 : i32
        %get3A_654 = arith.index_cast %add3A_653 : i32 to index
        %get3A_655 = tpu.vector_load %arg5[%get3A_654] {strides = array<i32>} : memref<65536xf32, #tpu.memory_space<vmem>>, vector<16xf32>,
        %max3A = arith.maximumf %get3A_500, %get3A_505 : vector<16xf32>
        %max3A_656 = arith.maximumf %get3A_510, %get3A_515 : vector<16xf32>
        %max3A_657 = arith.maximumf %get3A_520, %get3A_525 : vector<16xf32>
        %max3A_658 = arith.maximumf %get3A_530, %get3A_535 : vector<16xf32>
        %max3A_659 = arith.maximumf %get3A_540, %get3A_545 : vector<16xf32>
        %max3A_660 = arith.maximumf %get3A_550, %get3A_555 : vector<16xf32>
        %max3A_661 = arith.maximumf %get3A_560, %get3A_565 : vector<16xf32>
        %max3A_662 = arith.maximumf %get3A_570, %get3A_575 : vector<16xf32>
        %max3A_663 = arith.maximumf %get3A_580, %get3A_585 : vector<16xf32>
        %max3A_664 = arith.maximumf %get3A_590, %get3A_595 : vector<16xf32>
        %max3A_665 = arith.maximumf %get3A_600, %get3A_605 : vector<16xf32>
        %max3A_666 = arith.maximumf %get3A_610, %get3A_615 : vector<16xf32>
        %max3A_667 = arith.maximumf %get3A_620, %get3A_625 : vector<16xf32>
        %max3A_668 = arith.maximumf %get3A_630, %get3A_635 : vector<16xf32>
        %max3A_669 = arith.maximumf %get3A_640, %get3A_645 : vector<16xf32>
        %max3A_670 = arith.maximumf %get3A_650, %get3A_655 : vector<16xf32>
        %max3A_671 = arith.maximumf %max3A, %max3A_656 : vector<16xf32>
        %max3A_672 = arith.maximumf %max3A_657, %max3A_658 : vector<16xf32>
        %max3A_673 = arith.maximumf %max3A_659, %max3A_660 : vector<16xf32>
        %max3A_674 = arith.maximumf %max3A_661, %max3A_662 : vector<16xf32>
        %max3A_675 = arith.maximumf %max3A_663, %max3A_664 : vector<16xf32>
        %max3A_676 = arith.maximumf %max3A_665, %max3A_666 : vector<16xf32>
        %max3A_677 = arith.maximumf %max3A_667, %max3A_668 : vector<16xf32>
        %max3A_678 = arith.maximumf %max3A_669, %max3A_670 : vector<16xf32>
        %max3A_679 = arith.maximumf %max3A_671, %max3A_672 : vector<16xf32>
        %max3A_680 = arith.maximumf %max3A_673, %max3A_674 : vector<16xf32>
        %max3A_681 = arith.maximumf %max3A_675, %max3A_676 : vector<16xf32>
        %max3A_682 = arith.maximumf %max3A_677, %max3A_678 : vector<16xf32>
        %max3A_683 = arith.maximumf %max3A_679, %max3A_680 : vector<16xf32>
        %max3A_684 = arith.maximumf %max3A_681, %max3A_682 : vector<16xf32>
        %max3A_685 = arith.maximumf %max3A_683, %max3A_684 : vector<16xf32>
        %mul3A_686 = arith.constant 16 : i32
        %mul3A_687 = arith.muli %scan3A_493, %mul3A_686 : i32
        %swap3A_688 = arith.index_cast %mul3A_687 : i32 to index
        %swap3A_689 = tpu.vector_load %arg6[%swap3A_688] {strides = array<i32>} : memref<1024xf32, #tpu.memory_space<vmem>>, vector<16xf32>,
        tpu.vector_store %arg6[%swap3A_688], %max3A_685 {strides = array<i32>} : memref<1024xf32, #tpu.memory_space<vmem>>, vector<16xf32>,
        %max3A_690 = arith.maximumf %scan3A_494, %max3A_685 : vector<16xf32>
        scf.yield %max3A_690 : vector<16xf32>
      }
      %scan3A_47 = arith.constant 64 : i32
      %reduce_max3A = arith.constant true
      %reduce_max3A_48 = vector.broadcast %reduce_max3A : i1 to vector<16xi1>
      %reduce_max3A_49 = tpu.scan <max>, %scan3A_46 masked %reduce_max3A_48 : vector<16xf32>, vector<16xi1> -> vector<16xf32>
      %reduce_max3A_50 = vector.extract %reduce_max3A_49[15] : f32 from vector<16xf32>
      %eq3A = vector.broadcast %reduce_max3A_50 : f32 to vector<16xf32>
      %eq3A_51 = arith.cmpf oeq, %scan3A_46, %eq3A : vector<16xf32>
      %jit3A = arith.constant 16 : i32
      %broadcast_in_dim3A = vector.broadcast %jit3A : i32 to vector<16xi32>
      %select_n3A = arith.select %eq3A_51, %iota3A, %broadcast_in_dim3A : vector<16xi1>, vector<16xi32>
      %reduce_min3A = arith.constant true
      %reduce_min3A_52 = vector.broadcast %reduce_min3A : i1 to vector<16xi1>
      %reduce_min3A_53 = arith.constant -2147483648 : i32
      %reduce_min3A_54 = vector.broadcast %reduce_min3A_53 : i32 to vector<16xi32>
      %reduce_min3A_55 = arith.xori %select_n3A, %reduce_min3A_54 : vector<16xi32>
      %reduce_min3A_56 = tpu.scan <min>, %reduce_min3A_55 masked %reduce_min3A_52 : vector<16xi32>, vector<16xi1> -> vector<16xi32>
      %reduce_min3A_57 = arith.xori %reduce_min3A_56, %reduce_min3A_54 : vector<16xi32>
      %reduce_min3A_58 = vector.extract %reduce_min3A_57[15] : i32 from vector<16xi32>
      %eq3A_59 = vector.broadcast %reduce_min3A_58 : i32 to vector<16xi32>
      %eq3A_60 = arith.cmpi eq, %iota3A, %eq3A_59 : vector<16xi32>
      %jit3A_61 = arith.constant 0xFF800000 : f32
      %broadcast_in_dim3A_62 = vector.broadcast %jit3A_61 : f32 to vector<16xf32>
      %select_n3A_63 = arith.select %eq3A_60, %broadcast_in_dim3A_62, %scan3A_46 : vector<16xi1>, vector<16xf32>
      %reduce_max3A_64 = arith.constant true
      %reduce_max3A_65 = vector.broadcast %reduce_max3A_64 : i1 to vector<16xi1>
      %reduce_max3A_66 = tpu.scan <max>, %select_n3A_63 masked %reduce_max3A_65 : vector<16xf32>, vector<16xi1> -> vector<16xf32>
      %reduce_max3A_67 = vector.extract %reduce_max3A_66[15] : f32 from vector<16xf32>
      %eq3A_68 = vector.broadcast %reduce_max3A_67 : f32 to vector<16xf32>
      %eq3A_69 = arith.cmpf oeq, %select_n3A_63, %eq3A_68 : vector<16xf32>
      %jit3A_70 = arith.constant 16 : i32
      %broadcast_in_dim3A_71 = vector.broadcast %jit3A_70 : i32 to vector<16xi32>
      %select_n3A_72 = arith.select %eq3A_69, %iota3A, %broadcast_in_dim3A_71 : vector<16xi1>, vector<16xi32>
      %reduce_min3A_73 = arith.constant true
      %reduce_min3A_74 = vector.broadcast %reduce_min3A_73 : i1 to vector<16xi1>
      %reduce_min3A_75 = arith.constant -2147483648 : i32
      %reduce_min3A_76 = vector.broadcast %reduce_min3A_75 : i32 to vector<16xi32>
      %reduce_min3A_77 = arith.xori %select_n3A_72, %reduce_min3A_76 : vector<16xi32>
      %reduce_min3A_78 = tpu.scan <min>, %reduce_min3A_77 masked %reduce_min3A_74 : vector<16xi32>, vector<16xi1> -> vector<16xi32>
      %reduce_min3A_79 = arith.xori %reduce_min3A_78, %reduce_min3A_76 : vector<16xi32>
      %reduce_min3A_80 = vector.extract %reduce_min3A_79[15] : i32 from vector<16xi32>
      %eq3A_81 = vector.broadcast %reduce_min3A_80 : i32 to vector<16xi32>
      %eq3A_82 = arith.cmpi eq, %iota3A, %eq3A_81 : vector<16xi32>
      %jit3A_83 = arith.constant 0xFF800000 : f32
      %broadcast_in_dim3A_84 = vector.broadcast %jit3A_83 : f32 to vector<16xf32>
      %select_n3A_85 = arith.select %eq3A_82, %broadcast_in_dim3A_84, %select_n3A_63 : vector<16xi1>, vector<16xf32>
      %reduce_max3A_86 = arith.constant true
      %reduce_max3A_87 = vector.broadcast %reduce_max3A_86 : i1 to vector<16xi1>
      %reduce_max3A_88 = tpu.scan <max>, %select_n3A_85 masked %reduce_max3A_87 : vector<16xf32>, vector<16xi1> -> vector<16xf32>
      %reduce_max3A_89 = vector.extract %reduce_max3A_88[15] : f32 from vector<16xf32>
      %add3A_90 = vector.broadcast %reduce_max3A_89 : f32 to vector<16xf32>
      %add3A_91 = arith.addf %mul3A_38, %add3A_90 : vector<16xf32>
      %add3A_92 = arith.constant 0xFF800000 : f32
      %add3A_93 = vector.broadcast %add3A_92 : f32 to vector<16xf32>
      %add3A_94 = arith.addf %mul3A_38, %add3A_93 : vector<16xf32>
      %add3A_95 = arith.constant 0xFF800000 : f32
      %add3A_96 = vector.broadcast %add3A_95 : f32 to vector<16xf32>
      %add3A_97 = arith.addf %mul3A_38, %add3A_96 : vector<16xf32>
      %add3A_98 = arith.constant 0xFF800000 : f32
      %add3A_99 = vector.broadcast %add3A_98 : f32 to vector<16xf32>
      %add3A_100 = arith.addf %mul3A_38, %add3A_99 : vector<16xf32>
      %add3A_101 = arith.constant 0xFF800000 : f32
      %add3A_102 = vector.broadcast %add3A_101 : f32 to vector<16xf32>
      %add3A_103 = arith.addf %mul3A_38, %add3A_102 : vector<16xf32>
      %mul3A_104 = arith.constant 0 : i32
      %mul3A_105 = vector.broadcast %mul3A_104 : i32 to vector<16xi32>
      %mul3A_106 = arith.muli %iota3A, %mul3A_105 : vector<16xi32>
      %add3A_107 = arith.constant 2147483647 : i32
      %add3A_108 = vector.broadcast %add3A_107 : i32 to vector<16xi32>
      %add3A_109 = arith.addi %mul3A_106, %add3A_108 : vector<16xi32>
      %mul3A_110 = arith.constant 0 : i32
      %mul3A_111 = vector.broadcast %mul3A_110 : i32 to vector<16xi32>
      %mul3A_112 = arith.muli %iota3A, %mul3A_111 : vector<16xi32>
      %add3A_113 = arith.constant 2147483647 : i32
      %add3A_114 = vector.broadcast %add3A_113 : i32 to vector<16xi32>
      %add3A_115 = arith.addi %mul3A_112, %add3A_114 : vector<16xi32>
      %mul3A_116 = arith.constant 0 : i32
      %mul3A_117 = vector.broadcast %mul3A_116 : i32 to vector<16xi32>
      %mul3A_118 = arith.muli %iota3A, %mul3A_117 : vector<16xi32>
      %add3A_119 = arith.constant 2147483647 : i32
      %add3A_120 = vector.broadcast %add3A_119 : i32 to vector<16xi32>
      %add3A_121 = arith.addi %mul3A_118, %add3A_120 : vector<16xi32>
      %mul3A_122 = arith.constant 0 : i32
      %mul3A_123 = vector.broadcast %mul3A_122 : i32 to vector<16xi32>
      %mul3A_124 = arith.muli %iota3A, %mul3A_123 : vector<16xi32>
      %add3A_125 = arith.constant 2147483647 : i32
      %add3A_126 = vector.broadcast %add3A_125 : i32 to vector<16xi32>
      %add3A_127 = arith.addi %mul3A_124, %add3A_126 : vector<16xi32>
      %scan3A_128 = arith.constant 0 : i32
      %scan3A_129 = arith.constant 16 : i32
      %scan3A_130 = arith.addi %scan3A_128, %scan3A_129 : i32
      %scan3A_131 = arith.constant 1 : i32
      %scan3A_132:24 = scf.for %scan3A_493 = %scan3A_128 to %scan3A_130 step %scan3A_131 iter_args(%scan3A_494 = %add3A_94, %scan3A_495 = %add3A_94, %scan3A_496 = %add3A_94, %scan3A_497 = %add3A_97, %scan3A_498 = %add3A_97, %scan3A_499 = %add3A_97, %scan3A_500 = %add3A_100, %scan3A_501 = %add3A_100, %scan3A_502 = %add3A_100, %scan3A_503 = %add3A_103, %scan3A_504 = %add3A_103, %scan3A_505 = %add3A_103, %scan3A_506 = %add3A_109, %scan3A_507 = %add3A_109, %scan3A_508 = %add3A_109, %scan3A_509 = %add3A_115, %scan3A_510 = %add3A_115, %scan3A_511 = %add3A_115, %scan3A_512 = %add3A_121, %scan3A_513 = %add3A_121, %scan3A_514 = %add3A_121, %scan3A_515 = %add3A_127, %scan3A_516 = %add3A_127, %scan3A_517 = %add3A_127) -> (vector<16xf32>, vector<16xf32>, vector<16xf32>, vector<16xf32>, vector<16xf32>, vector<16xf32>, vector<16xf32>, vector<16xf32>, vector<16xf32>, vector<16xf32>, vector<16xf32>, vector<16xf32>, vector<16xi32>, vector<16xi32>, vector<16xi32>, vector<16xi32>, vector<16xi32>, vector<16xi32>, vector<16xi32>, vector<16xi32>, vector<16xi32>, vector<16xi32>, vector<16xi32>, vector<16xi32>)  : i32 {
        %mul3A_518 = arith.constant 4 : i32
        %mul3A_519 = arith.muli %scan3A_493, %mul3A_518 : i32
        %add3A_520 = arith.constant 0 : i32
        %add3A_521 = arith.addi %mul3A_519, %add3A_520 : i32
        %mul3A_522 = arith.constant 16 : i32
        %mul3A_523 = arith.muli %add3A_521, %mul3A_522 : i32
        %get3A = arith.index_cast %mul3A_523 : i32 to index
        %get3A_524 = tpu.vector_load %arg6[%get3A] {strides = array<i32>} : memref<1024xf32, #tpu.memory_space<vmem>>, vector<16xf32>,
        %add3A_525 = arith.constant 1 : i32
        %add3A_526 = arith.addi %mul3A_519, %add3A_525 : i32
        %mul3A_527 = arith.constant 16 : i32
        %mul3A_528 = arith.muli %add3A_526, %mul3A_527 : i32
        %get3A_529 = arith.index_cast %mul3A_528 : i32 to index
        %get3A_530 = tpu.vector_load %arg6[%get3A_529] {strides = array<i32>} : memref<1024xf32, #tpu.memory_space<vmem>>, vector<16xf32>,
        %add3A_531 = arith.constant 2 : i32
        %add3A_532 = arith.addi %mul3A_519, %add3A_531 : i32
        %mul3A_533 = arith.constant 16 : i32
        %mul3A_534 = arith.muli %add3A_532, %mul3A_533 : i32
        %get3A_535 = arith.index_cast %mul3A_534 : i32 to index
        %get3A_536 = tpu.vector_load %arg6[%get3A_535] {strides = array<i32>} : memref<1024xf32, #tpu.memory_space<vmem>>, vector<16xf32>,
        %add3A_537 = arith.constant 3 : i32
        %add3A_538 = arith.addi %mul3A_519, %add3A_537 : i32
        %mul3A_539 = arith.constant 16 : i32
        %mul3A_540 = arith.muli %add3A_538, %mul3A_539 : i32
        %get3A_541 = arith.index_cast %mul3A_540 : i32 to index
        %get3A_542 = tpu.vector_load %arg6[%get3A_541] {strides = array<i32>} : memref<1024xf32, #tpu.memory_space<vmem>>, vector<16xf32>,
        %max3A = arith.maximumf %get3A_524, %get3A_530 : vector<16xf32>
        %max3A_543 = arith.maximumf %get3A_536, %get3A_542 : vector<16xf32>
        %max3A_544 = arith.maximumf %max3A, %max3A_543 : vector<16xf32>
        %ge3A = arith.cmpf oge, %max3A_544, %add3A_91 : vector<16xf32>
        %reduce_or3A = arith.constant 1.000000e+00 : f32
        %reduce_or3A_545 = arith.constant 0.000000e+00 : f32
        %reduce_or3A_546 = vector.broadcast %reduce_or3A : f32 to vector<16xf32>
        %reduce_or3A_547 = vector.broadcast %reduce_or3A_545 : f32 to vector<16xf32>
        %reduce_or3A_548 = arith.select %ge3A, %reduce_or3A_546, %reduce_or3A_547 : vector<16xi1>, vector<16xf32>
        %reduce_or3A_549 = arith.constant true
        %reduce_or3A_550 = vector.broadcast %reduce_or3A_549 : i1 to vector<16xi1>
        %reduce_or3A_551 = tpu.scan <max>, %reduce_or3A_548 masked %reduce_or3A_550 : vector<16xf32>, vector<16xi1> -> vector<16xf32>
        %reduce_or3A_552 = vector.extract %reduce_or3A_551[15] : f32 from vector<16xf32>
        %reduce_or3A_553 = arith.constant 0.000000e+00 : f32
        %reduce_or3A_554 = arith.cmpf ogt, %reduce_or3A_552, %reduce_or3A_553 : f32
        %convert_element_type3A_555 = arith.extui %reduce_or3A_554 : i1 to i32
        %cond3A_556 = arith.constant 0 : i32
        %cond3A_557 = arith.cmpi ne, %convert_element_type3A_555, %cond3A_556 : i32
        %cond3A_558:24 = scf.if %cond3A_557 -> (vector<16xf32>, vector<16xf32>, vector<16xf32>, vector<16xf32>, vector<16xf32>, vector<16xf32>, vector<16xf32>, vector<16xf32>, vector<16xf32>, vector<16xf32>, vector<16xf32>, vector<16xf32>, vector<16xi32>, vector<16xi32>, vector<16xi32>, vector<16xi32>, vector<16xi32>, vector<16xi32>, vector<16xi32>, vector<16xi32>, vector<16xi32>, vector<16xi32>, vector<16xi32>, vector<16xi32>) {
          %add3A_559 = arith.constant 4 : i32
          %add3A_560 = arith.addi %mul3A_519, %add3A_559 : i32
          %while3A = arith.subi %add3A_560, %mul3A_519 : i32
          %while3A_561 = arith.addi %mul3A_519, %while3A : i32
          %while3A_562 = arith.constant 1 : i32
          %while3A_563 = arith.divsi %while3A, %while3A_562 : i32
          %while3A_564 = arith.muli %while3A_563, %while3A_562 : i32
          %while3A_565 = arith.addi %mul3A_519, %while3A_564 : i32
          %while3A_566 = arith.constant 1 : i32
          %while3A_567:24 = scf.for %while3A_570 = %mul3A_519 to %while3A_565 step %while3A_566 iter_args(%while3A_571 = %scan3A_494, %while3A_572 = %scan3A_495, %while3A_573 = %scan3A_496, %while3A_574 = %scan3A_497, %while3A_575 = %scan3A_498, %while3A_576 = %scan3A_499, %while3A_577 = %scan3A_500, %while3A_578 = %scan3A_501, %while3A_579 = %scan3A_502, %while3A_580 = %scan3A_503, %while3A_581 = %scan3A_504, %while3A_582 = %scan3A_505, %while3A_583 = %scan3A_506, %while3A_584 = %scan3A_507, %while3A_585 = %scan3A_508, %while3A_586 = %scan3A_509, %while3A_587 = %scan3A_510, %while3A_588 = %scan3A_511, %while3A_589 = %scan3A_512, %while3A_590 = %scan3A_513, %while3A_591 = %scan3A_514, %while3A_592 = %scan3A_515, %while3A_593 = %scan3A_516, %while3A_594 = %scan3A_517) -> (vector<16xf32>, vector<16xf32>, vector<16xf32>, vector<16xf32>, vector<16xf32>, vector<16xf32>, vector<16xf32>, vector<16xf32>, vector<16xf32>, vector<16xf32>, vector<16xf32>, vector<16xf32>, vector<16xi32>, vector<16xi32>, vector<16xi32>, vector<16xi32>, vector<16xi32>, vector<16xi32>, vector<16xi32>, vector<16xi32>, vector<16xi32>, vector<16xi32>, vector<16xi32>, vector<16xi32>)  : i32 {
            %mul3A_595 = arith.constant 16 : i32
            %mul3A_596 = arith.muli %while3A_570, %mul3A_595 : i32
            %get3A_597 = arith.index_cast %mul3A_596 : i32 to index
            %get3A_598 = tpu.vector_load %arg6[%get3A_597] {strides = array<i32>} : memref<1024xf32, #tpu.memory_space<vmem>>, vector<16xf32>,
            %ge3A_599 = arith.cmpf oge, %get3A_598, %add3A_91 : vector<16xf32>
            %reduce_or3A_600 = arith.constant 1.000000e+00 : f32
            %reduce_or3A_601 = arith.constant 0.000000e+00 : f32
            %reduce_or3A_602 = vector.broadcast %reduce_or3A_600 : f32 to vector<16xf32>
            %reduce_or3A_603 = vector.broadcast %reduce_or3A_601 : f32 to vector<16xf32>
            %reduce_or3A_604 = arith.select %ge3A_599, %reduce_or3A_602, %reduce_or3A_603 : vector<16xi1>, vector<16xf32>
            %reduce_or3A_605 = arith.constant true
            %reduce_or3A_606 = vector.broadcast %reduce_or3A_605 : i1 to vector<16xi1>
            %reduce_or3A_607 = tpu.scan <max>, %reduce_or3A_604 masked %reduce_or3A_606 : vector<16xf32>, vector<16xi1> -> vector<16xf32>
            %reduce_or3A_608 = vector.extract %reduce_or3A_607[15] : f32 from vector<16xf32>
            %reduce_or3A_609 = arith.constant 0.000000e+00 : f32
            %reduce_or3A_610 = arith.cmpf ogt, %reduce_or3A_608, %reduce_or3A_609 : f32
            %convert_element_type3A_611 = arith.extui %reduce_or3A_610 : i1 to i32
            %cond3A_612 = arith.constant 0 : i32
            %cond3A_613 = arith.cmpi ne, %convert_element_type3A_611, %cond3A_612 : i32
            %cond3A_614:24 = scf.if %cond3A_613 -> (vector<16xf32>, vector<16xf32>, vector<16xf32>, vector<16xf32>, vector<16xf32>, vector<16xf32>, vector<16xf32>, vector<16xf32>, vector<16xf32>, vector<16xf32>, vector<16xf32>, vector<16xf32>, vector<16xi32>, vector<16xi32>, vector<16xi32>, vector<16xi32>, vector<16xi32>, vector<16xi32>, vector<16xi32>, vector<16xi32>, vector<16xi32>, vector<16xi32>, vector<16xi32>, vector<16xi32>) {
              %scan3A_615 = arith.constant 0 : i32
              %scan3A_616 = arith.constant 8 : i32
              %scan3A_617 = arith.addi %scan3A_615, %scan3A_616 : i32
              %scan3A_618 = arith.constant 1 : i32
              %scan3A_619:24 = scf.for %scan3A_621 = %scan3A_615 to %scan3A_617 step %scan3A_618 iter_args(%scan3A_622 = %while3A_571, %scan3A_623 = %while3A_572, %scan3A_624 = %while3A_573, %scan3A_625 = %while3A_574, %scan3A_626 = %while3A_575, %scan3A_627 = %while3A_576, %scan3A_628 = %while3A_577, %scan3A_629 = %while3A_578, %scan3A_630 = %while3A_579, %scan3A_631 = %while3A_580, %scan3A_632 = %while3A_581, %scan3A_633 = %while3A_582, %scan3A_634 = %while3A_583, %scan3A_635 = %while3A_584, %scan3A_636 = %while3A_585, %scan3A_637 = %while3A_586, %scan3A_638 = %while3A_587, %scan3A_639 = %while3A_588, %scan3A_640 = %while3A_589, %scan3A_641 = %while3A_590, %scan3A_642 = %while3A_591, %scan3A_643 = %while3A_592, %scan3A_644 = %while3A_593, %scan3A_645 = %while3A_594) -> (vector<16xf32>, vector<16xf32>, vector<16xf32>, vector<16xf32>, vector<16xf32>, vector<16xf32>, vector<16xf32>, vector<16xf32>, vector<16xf32>, vector<16xf32>, vector<16xf32>, vector<16xf32>, vector<16xi32>, vector<16xi32>, vector<16xi32>, vector<16xi32>, vector<16xi32>, vector<16xi32>, vector<16xi32>, vector<16xi32>, vector<16xi32>, vector<16xi32>, vector<16xi32>, vector<16xi32>)  : i32 {
                %mul3A_646 = arith.constant 512 : i32
                %mul3A_647 = arith.muli %while3A_570, %mul3A_646 : i32
                %mul3A_648 = arith.constant 64 : i32
                %mul3A_649 = arith.muli %scan3A_621, %mul3A_648 : i32
                %add3A_650 = arith.addi %mul3A_647, %mul3A_649 : i32
                %add3A_651 = vector.broadcast %add3A_650 : i32 to vector<16xi32>
                %add3A_652 = arith.addi %iota3A, %add3A_651 : vector<16xi32>
                %add3A_653 = arith.constant 0 : i32
                %add3A_654 = arith.addi %add3A_650, %add3A_653 : i32
                %add3A_655 = arith.addi %mul3A_24, %add3A_654 : i32
                %get3A_656 = arith.index_cast %add3A_655 : i32 to index
                %get3A_657 = tpu.vector_load %arg5[%get3A_656] {strides = array<i32>} : memref<65536xf32, #tpu.memory_space<vmem>>, vector<16xf32>,
                %add3A_658 = arith.constant 0 : i32
                %add3A_659 = vector.broadcast %add3A_658 : i32 to vector<16xi32>
                %add3A_660 = arith.addi %add3A_652, %add3A_659 : vector<16xi32>
                %gt3A_661 = arith.cmpf ogt, %get3A_657, %scan3A_622 : vector<16xf32>
                %min3A = arith.minimumf %get3A_657, %scan3A_622 : vector<16xf32>
                %max3A_662 = arith.maximumf %get3A_657, %scan3A_622 : vector<16xf32>
                %select_n3A_663 = arith.select %gt3A_661, %add3A_660, %scan3A_634 : vector<16xi1>, vector<16xi32>
                %select_n3A_664 = arith.select %gt3A_661, %scan3A_634, %add3A_660 : vector<16xi1>, vector<16xi32>
                %gt3A_665 = arith.cmpf ogt, %min3A, %scan3A_623 : vector<16xf32>
                %min3A_666 = arith.minimumf %min3A, %scan3A_623 : vector<16xf32>
                %max3A_667 = arith.maximumf %min3A, %scan3A_623 : vector<16xf32>
                %select_n3A_668 = arith.select %gt3A_665, %select_n3A_664, %scan3A_635 : vector<16xi1>, vector<16xi32>
                %select_n3A_669 = arith.select %gt3A_665, %scan3A_635, %select_n3A_664 : vector<16xi1>, vector<16xi32>
                %gt3A_670 = arith.cmpf ogt, %min3A_666, %scan3A_624 : vector<16xf32>
                %max3A_671 = arith.maximumf %min3A_666, %scan3A_624 : vector<16xf32>
                %select_n3A_672 = arith.select %gt3A_670, %select_n3A_669, %scan3A_636 : vector<16xi1>, vector<16xi32>
                %add3A_673 = arith.constant 16 : i32
                %add3A_674 = arith.addi %add3A_650, %add3A_673 : i32
                %add3A_675 = arith.addi %mul3A_24, %add3A_674 : i32
                %get3A_676 = arith.index_cast %add3A_675 : i32 to index
                %get3A_677 = tpu.vector_load %arg5[%get3A_676] {strides = array<i32>} : memref<65536xf32, #tpu.memory_space<vmem>>, vector<16xf32>,
                %add3A_678 = arith.constant 16 : i32
                %add3A_679 = vector.broadcast %add3A_678 : i32 to vector<16xi32>
                %add3A_680 = arith.addi %add3A_652, %add3A_679 : vector<16xi32>
                %gt3A_681 = arith.cmpf ogt, %get3A_677, %scan3A_625 : vector<16xf32>
                %min3A_682 = arith.minimumf %get3A_677, %scan3A_625 : vector<16xf32>
                %max3A_683 = arith.maximumf %get3A_677, %scan3A_625 : vector<16xf32>
                %select_n3A_684 = arith.select %gt3A_681, %add3A_680, %scan3A_637 : vector<16xi1>, vector<16xi32>
                %select_n3A_685 = arith.select %gt3A_681, %scan3A_637, %add3A_680 : vector<16xi1>, vector<16xi32>
                %gt3A_686 = arith.cmpf ogt, %min3A_682, %scan3A_626 : vector<16xf32>
                %min3A_687 = arith.minimumf %min3A_682, %scan3A_626 : vector<16xf32>
                %max3A_688 = arith.maximumf %min3A_682, %scan3A_626 : vector<16xf32>
                %select_n3A_689 = arith.select %gt3A_686, %select_n3A_685, %scan3A_638 : vector<16xi1>, vector<16xi32>
                %select_n3A_690 = arith.select %gt3A_686, %scan3A_638, %select_n3A_685 : vector<16xi1>, vector<16xi32>
                %gt3A_691 = arith.cmpf ogt, %min3A_687, %scan3A_627 : vector<16xf32>
                %max3A_692 = arith.maximumf %min3A_687, %scan3A_627 : vector<16xf32>
                %select_n3A_693 = arith.select %gt3A_691, %select_n3A_690, %scan3A_639 : vector<16xi1>, vector<16xi32>
                %add3A_694 = arith.constant 32 : i32
                %add3A_695 = arith.addi %add3A_650, %add3A_694 : i32
                %add3A_696 = arith.addi %mul3A_24, %add3A_695 : i32
                %get3A_697 = arith.index_cast %add3A_696 : i32 to index
                %get3A_698 = tpu.vector_load %arg5[%get3A_697] {strides = array<i32>} : memref<65536xf32, #tpu.memory_space<vmem>>, vector<16xf32>,
                %add3A_699 = arith.constant 32 : i32
                %add3A_700 = vector.broadcast %add3A_699 : i32 to vector<16xi32>
                %add3A_701 = arith.addi %add3A_652, %add3A_700 : vector<16xi32>
                %gt3A_702 = arith.cmpf ogt, %get3A_698, %scan3A_628 : vector<16xf32>
                %min3A_703 = arith.minimumf %get3A_698, %scan3A_628 : vector<16xf32>
                %max3A_704 = arith.maximumf %get3A_698, %scan3A_628 : vector<16xf32>
                %select_n3A_705 = arith.select %gt3A_702, %add3A_701, %scan3A_640 : vector<16xi1>, vector<16xi32>
                %select_n3A_706 = arith.select %gt3A_702, %scan3A_640, %add3A_701 : vector<16xi1>, vector<16xi32>
                %gt3A_707 = arith.cmpf ogt, %min3A_703, %scan3A_629 : vector<16xf32>
                %min3A_708 = arith.minimumf %min3A_703, %scan3A_629 : vector<16xf32>
                %max3A_709 = arith.maximumf %min3A_703, %scan3A_629 : vector<16xf32>
                %select_n3A_710 = arith.select %gt3A_707, %select_n3A_706, %scan3A_641 : vector<16xi1>, vector<16xi32>
                %select_n3A_711 = arith.select %gt3A_707, %scan3A_641, %select_n3A_706 : vector<16xi1>, vector<16xi32>
                %gt3A_712 = arith.cmpf ogt, %min3A_708, %scan3A_630 : vector<16xf32>
                %max3A_713 = arith.maximumf %min3A_708, %scan3A_630 : vector<16xf32>
                %select_n3A_714 = arith.select %gt3A_712, %select_n3A_711, %scan3A_642 : vector<16xi1>, vector<16xi32>
                %add3A_715 = arith.constant 48 : i32
                %add3A_716 = arith.addi %add3A_650, %add3A_715 : i32
                %add3A_717 = arith.addi %mul3A_24, %add3A_716 : i32
                %get3A_718 = arith.index_cast %add3A_717 : i32 to index
                %get3A_719 = tpu.vector_load %arg5[%get3A_718] {strides = array<i32>} : memref<65536xf32, #tpu.memory_space<vmem>>, vector<16xf32>,
                %add3A_720 = arith.constant 48 : i32
                %add3A_721 = vector.broadcast %add3A_720 : i32 to vector<16xi32>
                %add3A_722 = arith.addi %add3A_652, %add3A_721 : vector<16xi32>
                %gt3A_723 = arith.cmpf ogt, %get3A_719, %scan3A_631 : vector<16xf32>
                %min3A_724 = arith.minimumf %get3A_719, %scan3A_631 : vector<16xf32>
                %max3A_725 = arith.maximumf %get3A_719, %scan3A_631 : vector<16xf32>
                %select_n3A_726 = arith.select %gt3A_723, %add3A_722, %scan3A_643 : vector<16xi1>, vector<16xi32>
                %select_n3A_727 = arith.select %gt3A_723, %scan3A_643, %add3A_722 : vector<16xi1>, vector<16xi32>
                %gt3A_728 = arith.cmpf ogt, %min3A_724, %scan3A_632 : vector<16xf32>
                %min3A_729 = arith.minimumf %min3A_724, %scan3A_632 : vector<16xf32>
                %max3A_730 = arith.maximumf %min3A_724, %scan3A_632 : vector<16xf32>
                %select_n3A_731 = arith.select %gt3A_728, %select_n3A_727, %scan3A_644 : vector<16xi1>, vector<16xi32>
                %select_n3A_732 = arith.select %gt3A_728, %scan3A_644, %select_n3A_727 : vector<16xi1>, vector<16xi32>
                %gt3A_733 = arith.cmpf ogt, %min3A_729, %scan3A_633 : vector<16xf32>
                %max3A_734 = arith.maximumf %min3A_729, %scan3A_633 : vector<16xf32>
                %select_n3A_735 = arith.select %gt3A_733, %select_n3A_732, %scan3A_645 : vector<16xi1>, vector<16xi32>
                scf.yield %max3A_662, %max3A_667, %max3A_671, %max3A_683, %max3A_688, %max3A_692, %max3A_704, %max3A_709, %max3A_713, %max3A_725, %max3A_730, %max3A_734, %select_n3A_663, %select_n3A_668, %select_n3A_672, %select_n3A_684, %select_n3A_689, %select_n3A_693, %select_n3A_705, %select_n3A_710, %select_n3A_714, %select_n3A_726, %select_n3A_731, %select_n3A_735 : vector<16xf32>, vector<16xf32>, vector<16xf32>, vector<16xf32>, vector<16xf32>, vector<16xf32>, vector<16xf32>, vector<16xf32>, vector<16xf32>, vector<16xf32>, vector<16xf32>, vector<16xf32>, vector<16xi32>, vector<16xi32>, vector<16xi32>, vector<16xi32>, vector<16xi32>, vector<16xi32>, vector<16xi32>, vector<16xi32>, vector<16xi32>, vector<16xi32>, vector<16xi32>, vector<16xi32>
              }
              %scan3A_620 = arith.constant 8 : i32
              scf.yield %scan3A_619#0, %scan3A_619#1, %scan3A_619#2, %scan3A_619#3, %scan3A_619#4, %scan3A_619#5, %scan3A_619#6, %scan3A_619#7, %scan3A_619#8, %scan3A_619#9, %scan3A_619#10, %scan3A_619#11, %scan3A_619#12, %scan3A_619#13, %scan3A_619#14, %scan3A_619#15, %scan3A_619#16, %scan3A_619#17, %scan3A_619#18, %scan3A_619#19, %scan3A_619#20, %scan3A_619#21, %scan3A_619#22, %scan3A_619#23 : vector<16xf32>, vector<16xf32>, vector<16xf32>, vector<16xf32>, vector<16xf32>, vector<16xf32>, vector<16xf32>, vector<16xf32>, vector<16xf32>, vector<16xf32>, vector<16xf32>, vector<16xf32>, vector<16xi32>, vector<16xi32>, vector<16xi32>, vector<16xi32>, vector<16xi32>, vector<16xi32>, vector<16xi32>, vector<16xi32>, vector<16xi32>, vector<16xi32>, vector<16xi32>, vector<16xi32>
            } else {
              scf.yield %while3A_571, %while3A_572, %while3A_573, %while3A_574, %while3A_575, %while3A_576, %while3A_577, %while3A_578, %while3A_579, %while3A_580, %while3A_581, %while3A_582, %while3A_583, %while3A_584, %while3A_585, %while3A_586, %while3A_587, %while3A_588, %while3A_589, %while3A_590, %while3A_591, %while3A_592, %while3A_593, %while3A_594 : vector<16xf32>, vector<16xf32>, vector<16xf32>, vector<16xf32>, vector<16xf32>, vector<16xf32>, vector<16xf32>, vector<16xf32>, vector<16xf32>, vector<16xf32>, vector<16xf32>, vector<16xf32>, vector<16xi32>, vector<16xi32>, vector<16xi32>, vector<16xi32>, vector<16xi32>, vector<16xi32>, vector<16xi32>, vector<16xi32>, vector<16xi32>, vector<16xi32>, vector<16xi32>, vector<16xi32>
            }
            scf.yield %cond3A_614#0, %cond3A_614#1, %cond3A_614#2, %cond3A_614#3, %cond3A_614#4, %cond3A_614#5, %cond3A_614#6, %cond3A_614#7, %cond3A_614#8, %cond3A_614#9, %cond3A_614#10, %cond3A_614#11, %cond3A_614#12, %cond3A_614#13, %cond3A_614#14, %cond3A_614#15, %cond3A_614#16, %cond3A_614#17, %cond3A_614#18, %cond3A_614#19, %cond3A_614#20, %cond3A_614#21, %cond3A_614#22, %cond3A_614#23 : vector<16xf32>, vector<16xf32>, vector<16xf32>, vector<16xf32>, vector<16xf32>, vector<16xf32>, vector<16xf32>, vector<16xf32>, vector<16xf32>, vector<16xf32>, vector<16xf32>, vector<16xf32>, vector<16xi32>, vector<16xi32>, vector<16xi32>, vector<16xi32>, vector<16xi32>, vector<16xi32>, vector<16xi32>, vector<16xi32>, vector<16xi32>, vector<16xi32>, vector<16xi32>, vector<16xi32>
          }
          %while3A_568 = arith.constant 1 : i32
          %while3A_569:24 = scf.for %while3A_570 = %while3A_565 to %while3A_561 step %while3A_568 iter_args(%while3A_571 = %while3A_567#0, %while3A_572 = %while3A_567#1, %while3A_573 = %while3A_567#2, %while3A_574 = %while3A_567#3, %while3A_575 = %while3A_567#4, %while3A_576 = %while3A_567#5, %while3A_577 = %while3A_567#6, %while3A_578 = %while3A_567#7, %while3A_579 = %while3A_567#8, %while3A_580 = %while3A_567#9, %while3A_581 = %while3A_567#10, %while3A_582 = %while3A_567#11, %while3A_583 = %while3A_567#12, %while3A_584 = %while3A_567#13, %while3A_585 = %while3A_567#14, %while3A_586 = %while3A_567#15, %while3A_587 = %while3A_567#16, %while3A_588 = %while3A_567#17, %while3A_589 = %while3A_567#18, %while3A_590 = %while3A_567#19, %while3A_591 = %while3A_567#20, %while3A_592 = %while3A_567#21, %while3A_593 = %while3A_567#22, %while3A_594 = %while3A_567#23) -> (vector<16xf32>, vector<16xf32>, vector<16xf32>, vector<16xf32>, vector<16xf32>, vector<16xf32>, vector<16xf32>, vector<16xf32>, vector<16xf32>, vector<16xf32>, vector<16xf32>, vector<16xf32>, vector<16xi32>, vector<16xi32>, vector<16xi32>, vector<16xi32>, vector<16xi32>, vector<16xi32>, vector<16xi32>, vector<16xi32>, vector<16xi32>, vector<16xi32>, vector<16xi32>, vector<16xi32>)  : i32 {
            %mul3A_595 = arith.constant 16 : i32
            %mul3A_596 = arith.muli %while3A_570, %mul3A_595 : i32
            %get3A_597 = arith.index_cast %mul3A_596 : i32 to index
            %get3A_598 = tpu.vector_load %arg6[%get3A_597] {strides = array<i32>} : memref<1024xf32, #tpu.memory_space<vmem>>, vector<16xf32>,
            %ge3A_599 = arith.cmpf oge, %get3A_598, %add3A_91 : vector<16xf32>
            %reduce_or3A_600 = arith.constant 1.000000e+00 : f32
            %reduce_or3A_601 = arith.constant 0.000000e+00 : f32
            %reduce_or3A_602 = vector.broadcast %reduce_or3A_600 : f32 to vector<16xf32>
            %reduce_or3A_603 = vector.broadcast %reduce_or3A_601 : f32 to vector<16xf32>
            %reduce_or3A_604 = arith.select %ge3A_599, %reduce_or3A_602, %reduce_or3A_603 : vector<16xi1>, vector<16xf32>
            %reduce_or3A_605 = arith.constant true
            %reduce_or3A_606 = vector.broadcast %reduce_or3A_605 : i1 to vector<16xi1>
            %reduce_or3A_607 = tpu.scan <max>, %reduce_or3A_604 masked %reduce_or3A_606 : vector<16xf32>, vector<16xi1> -> vector<16xf32>
            %reduce_or3A_608 = vector.extract %reduce_or3A_607[15] : f32 from vector<16xf32>
            %reduce_or3A_609 = arith.constant 0.000000e+00 : f32
            %reduce_or3A_610 = arith.cmpf ogt, %reduce_or3A_608, %reduce_or3A_609 : f32
            %convert_element_type3A_611 = arith.extui %reduce_or3A_610 : i1 to i32
            %cond3A_612 = arith.constant 0 : i32
            %cond3A_613 = arith.cmpi ne, %convert_element_type3A_611, %cond3A_612 : i32
            %cond3A_614:24 = scf.if %cond3A_613 -> (vector<16xf32>, vector<16xf32>, vector<16xf32>, vector<16xf32>, vector<16xf32>, vector<16xf32>, vector<16xf32>, vector<16xf32>, vector<16xf32>, vector<16xf32>, vector<16xf32>, vector<16xf32>, vector<16xi32>, vector<16xi32>, vector<16xi32>, vector<16xi32>, vector<16xi32>, vector<16xi32>, vector<16xi32>, vector<16xi32>, vector<16xi32>, vector<16xi32>, vector<16xi32>, vector<16xi32>) {
              %scan3A_615 = arith.constant 0 : i32
              %scan3A_616 = arith.constant 8 : i32
              %scan3A_617 = arith.addi %scan3A_615, %scan3A_616 : i32
              %scan3A_618 = arith.constant 1 : i32
              %scan3A_619:24 = scf.for %scan3A_621 = %scan3A_615 to %scan3A_617 step %scan3A_618 iter_args(%scan3A_622 = %while3A_571, %scan3A_623 = %while3A_572, %scan3A_624 = %while3A_573, %scan3A_625 = %while3A_574, %scan3A_626 = %while3A_575, %scan3A_627 = %while3A_576, %scan3A_628 = %while3A_577, %scan3A_629 = %while3A_578, %scan3A_630 = %while3A_579, %scan3A_631 = %while3A_580, %scan3A_632 = %while3A_581, %scan3A_633 = %while3A_582, %scan3A_634 = %while3A_583, %scan3A_635 = %while3A_584, %scan3A_636 = %while3A_585, %scan3A_637 = %while3A_586, %scan3A_638 = %while3A_587, %scan3A_639 = %while3A_588, %scan3A_640 = %while3A_589, %scan3A_641 = %while3A_590, %scan3A_642 = %while3A_591, %scan3A_643 = %while3A_592, %scan3A_644 = %while3A_593, %scan3A_645 = %while3A_594) -> (vector<16xf32>, vector<16xf32>, vector<16xf32>, vector<16xf32>, vector<16xf32>, vector<16xf32>, vector<16xf32>, vector<16xf32>, vector<16xf32>, vector<16xf32>, vector<16xf32>, vector<16xf32>, vector<16xi32>, vector<16xi32>, vector<16xi32>, vector<16xi32>, vector<16xi32>, vector<16xi32>, vector<16xi32>, vector<16xi32>, vector<16xi32>, vector<16xi32>, vector<16xi32>, vector<16xi32>)  : i32 {
                %mul3A_646 = arith.constant 512 : i32
                %mul3A_647 = arith.muli %while3A_570, %mul3A_646 : i32
                %mul3A_648 = arith.constant 64 : i32
                %mul3A_649 = arith.muli %scan3A_621, %mul3A_648 : i32
                %add3A_650 = arith.addi %mul3A_647, %mul3A_649 : i32
                %add3A_651 = vector.broadcast %add3A_650 : i32 to vector<16xi32>
                %add3A_652 = arith.addi %iota3A, %add3A_651 : vector<16xi32>
                %add3A_653 = arith.constant 0 : i32
                %add3A_654 = arith.addi %add3A_650, %add3A_653 : i32
                %add3A_655 = arith.addi %mul3A_24, %add3A_654 : i32
                %get3A_656 = arith.index_cast %add3A_655 : i32 to index
                %get3A_657 = tpu.vector_load %arg5[%get3A_656] {strides = array<i32>} : memref<65536xf32, #tpu.memory_space<vmem>>, vector<16xf32>,
                %add3A_658 = arith.constant 0 : i32
                %add3A_659 = vector.broadcast %add3A_658 : i32 to vector<16xi32>
                %add3A_660 = arith.addi %add3A_652, %add3A_659 : vector<16xi32>
                %gt3A_661 = arith.cmpf ogt, %get3A_657, %scan3A_622 : vector<16xf32>
                %min3A = arith.minimumf %get3A_657, %scan3A_622 : vector<16xf32>
                %max3A_662 = arith.maximumf %get3A_657, %scan3A_622 : vector<16xf32>
                %select_n3A_663 = arith.select %gt3A_661, %add3A_660, %scan3A_634 : vector<16xi1>, vector<16xi32>
                %select_n3A_664 = arith.select %gt3A_661, %scan3A_634, %add3A_660 : vector<16xi1>, vector<16xi32>
                %gt3A_665 = arith.cmpf ogt, %min3A, %scan3A_623 : vector<16xf32>
                %min3A_666 = arith.minimumf %min3A, %scan3A_623 : vector<16xf32>
                %max3A_667 = arith.maximumf %min3A, %scan3A_623 : vector<16xf32>
                %select_n3A_668 = arith.select %gt3A_665, %select_n3A_664, %scan3A_635 : vector<16xi1>, vector<16xi32>
                %select_n3A_669 = arith.select %gt3A_665, %scan3A_635, %select_n3A_664 : vector<16xi1>, vector<16xi32>
                %gt3A_670 = arith.cmpf ogt, %min3A_666, %scan3A_624 : vector<16xf32>
                %max3A_671 = arith.maximumf %min3A_666, %scan3A_624 : vector<16xf32>
                %select_n3A_672 = arith.select %gt3A_670, %select_n3A_669, %scan3A_636 : vector<16xi1>, vector<16xi32>
                %add3A_673 = arith.constant 16 : i32
                %add3A_674 = arith.addi %add3A_650, %add3A_673 : i32
                %add3A_675 = arith.addi %mul3A_24, %add3A_674 : i32
                %get3A_676 = arith.index_cast %add3A_675 : i32 to index
                %get3A_677 = tpu.vector_load %arg5[%get3A_676] {strides = array<i32>} : memref<65536xf32, #tpu.memory_space<vmem>>, vector<16xf32>,
                %add3A_678 = arith.constant 16 : i32
                %add3A_679 = vector.broadcast %add3A_678 : i32 to vector<16xi32>
                %add3A_680 = arith.addi %add3A_652, %add3A_679 : vector<16xi32>
                %gt3A_681 = arith.cmpf ogt, %get3A_677, %scan3A_625 : vector<16xf32>
                %min3A_682 = arith.minimumf %get3A_677, %scan3A_625 : vector<16xf32>
                %max3A_683 = arith.maximumf %get3A_677, %scan3A_625 : vector<16xf32>
                %select_n3A_684 = arith.select %gt3A_681, %add3A_680, %scan3A_637 : vector<16xi1>, vector<16xi32>
                %select_n3A_685 = arith.select %gt3A_681, %scan3A_637, %add3A_680 : vector<16xi1>, vector<16xi32>
                %gt3A_686 = arith.cmpf ogt, %min3A_682, %scan3A_626 : vector<16xf32>
                %min3A_687 = arith.minimumf %min3A_682, %scan3A_626 : vector<16xf32>
                %max3A_688 = arith.maximumf %min3A_682, %scan3A_626 : vector<16xf32>
                %select_n3A_689 = arith.select %gt3A_686, %select_n3A_685, %scan3A_638 : vector<16xi1>, vector<16xi32>
                %select_n3A_690 = arith.select %gt3A_686, %scan3A_638, %select_n3A_685 : vector<16xi1>, vector<16xi32>
                %gt3A_691 = arith.cmpf ogt, %min3A_687, %scan3A_627 : vector<16xf32>
                %max3A_692 = arith.maximumf %min3A_687, %scan3A_627 : vector<16xf32>
                %select_n3A_693 = arith.select %gt3A_691, %select_n3A_690, %scan3A_639 : vector<16xi1>, vector<16xi32>
                %add3A_694 = arith.constant 32 : i32
                %add3A_695 = arith.addi %add3A_650, %add3A_694 : i32
                %add3A_696 = arith.addi %mul3A_24, %add3A_695 : i32
                %get3A_697 = arith.index_cast %add3A_696 : i32 to index
                %get3A_698 = tpu.vector_load %arg5[%get3A_697] {strides = array<i32>} : memref<65536xf32, #tpu.memory_space<vmem>>, vector<16xf32>,
                %add3A_699 = arith.constant 32 : i32
                %add3A_700 = vector.broadcast %add3A_699 : i32 to vector<16xi32>
                %add3A_701 = arith.addi %add3A_652, %add3A_700 : vector<16xi32>
                %gt3A_702 = arith.cmpf ogt, %get3A_698, %scan3A_628 : vector<16xf32>
                %min3A_703 = arith.minimumf %get3A_698, %scan3A_628 : vector<16xf32>
                %max3A_704 = arith.maximumf %get3A_698, %scan3A_628 : vector<16xf32>
                %select_n3A_705 = arith.select %gt3A_702, %add3A_701, %scan3A_640 : vector<16xi1>, vector<16xi32>
                %select_n3A_706 = arith.select %gt3A_702, %scan3A_640, %add3A_701 : vector<16xi1>, vector<16xi32>
                %gt3A_707 = arith.cmpf ogt, %min3A_703, %scan3A_629 : vector<16xf32>
                %min3A_708 = arith.minimumf %min3A_703, %scan3A_629 : vector<16xf32>
                %max3A_709 = arith.maximumf %min3A_703, %scan3A_629 : vector<16xf32>
                %select_n3A_710 = arith.select %gt3A_707, %select_n3A_706, %scan3A_641 : vector<16xi1>, vector<16xi32>
                %select_n3A_711 = arith.select %gt3A_707, %scan3A_641, %select_n3A_706 : vector<16xi1>, vector<16xi32>
                %gt3A_712 = arith.cmpf ogt, %min3A_708, %scan3A_630 : vector<16xf32>
                %max3A_713 = arith.maximumf %min3A_708, %scan3A_630 : vector<16xf32>
                %select_n3A_714 = arith.select %gt3A_712, %select_n3A_711, %scan3A_642 : vector<16xi1>, vector<16xi32>
                %add3A_715 = arith.constant 48 : i32
                %add3A_716 = arith.addi %add3A_650, %add3A_715 : i32
                %add3A_717 = arith.addi %mul3A_24, %add3A_716 : i32
                %get3A_718 = arith.index_cast %add3A_717 : i32 to index
                %get3A_719 = tpu.vector_load %arg5[%get3A_718] {strides = array<i32>} : memref<65536xf32, #tpu.memory_space<vmem>>, vector<16xf32>,
                %add3A_720 = arith.constant 48 : i32
                %add3A_721 = vector.broadcast %add3A_720 : i32 to vector<16xi32>
                %add3A_722 = arith.addi %add3A_652, %add3A_721 : vector<16xi32>
                %gt3A_723 = arith.cmpf ogt, %get3A_719, %scan3A_631 : vector<16xf32>
                %min3A_724 = arith.minimumf %get3A_719, %scan3A_631 : vector<16xf32>
                %max3A_725 = arith.maximumf %get3A_719, %scan3A_631 : vector<16xf32>
                %select_n3A_726 = arith.select %gt3A_723, %add3A_722, %scan3A_643 : vector<16xi1>, vector<16xi32>
                %select_n3A_727 = arith.select %gt3A_723, %scan3A_643, %add3A_722 : vector<16xi1>, vector<16xi32>
                %gt3A_728 = arith.cmpf ogt, %min3A_724, %scan3A_632 : vector<16xf32>
                %min3A_729 = arith.minimumf %min3A_724, %scan3A_632 : vector<16xf32>
                %max3A_730 = arith.maximumf %min3A_724, %scan3A_632 : vector<16xf32>
                %select_n3A_731 = arith.select %gt3A_728, %select_n3A_727, %scan3A_644 : vector<16xi1>, vector<16xi32>
                %select_n3A_732 = arith.select %gt3A_728, %scan3A_644, %select_n3A_727 : vector<16xi1>, vector<16xi32>
                %gt3A_733 = arith.cmpf ogt, %min3A_729, %scan3A_633 : vector<16xf32>
                %max3A_734 = arith.maximumf %min3A_729, %scan3A_633 : vector<16xf32>
                %select_n3A_735 = arith.select %gt3A_733, %select_n3A_732, %scan3A_645 : vector<16xi1>, vector<16xi32>
                scf.yield %max3A_662, %max3A_667, %max3A_671, %max3A_683, %max3A_688, %max3A_692, %max3A_704, %max3A_709, %max3A_713, %max3A_725, %max3A_730, %max3A_734, %select_n3A_663, %select_n3A_668, %select_n3A_672, %select_n3A_684, %select_n3A_689, %select_n3A_693, %select_n3A_705, %select_n3A_710, %select_n3A_714, %select_n3A_726, %select_n3A_731, %select_n3A_735 : vector<16xf32>, vector<16xf32>, vector<16xf32>, vector<16xf32>, vector<16xf32>, vector<16xf32>, vector<16xf32>, vector<16xf32>, vector<16xf32>, vector<16xf32>, vector<16xf32>, vector<16xf32>, vector<16xi32>, vector<16xi32>, vector<16xi32>, vector<16xi32>, vector<16xi32>, vector<16xi32>, vector<16xi32>, vector<16xi32>, vector<16xi32>, vector<16xi32>, vector<16xi32>, vector<16xi32>
              }
              %scan3A_620 = arith.constant 8 : i32
              scf.yield %scan3A_619#0, %scan3A_619#1, %scan3A_619#2, %scan3A_619#3, %scan3A_619#4, %scan3A_619#5, %scan3A_619#6, %scan3A_619#7, %scan3A_619#8, %scan3A_619#9, %scan3A_619#10, %scan3A_619#11, %scan3A_619#12, %scan3A_619#13, %scan3A_619#14, %scan3A_619#15, %scan3A_619#16, %scan3A_619#17, %scan3A_619#18, %scan3A_619#19, %scan3A_619#20, %scan3A_619#21, %scan3A_619#22, %scan3A_619#23 : vector<16xf32>, vector<16xf32>, vector<16xf32>, vector<16xf32>, vector<16xf32>, vector<16xf32>, vector<16xf32>, vector<16xf32>, vector<16xf32>, vector<16xf32>, vector<16xf32>, vector<16xf32>, vector<16xi32>, vector<16xi32>, vector<16xi32>, vector<16xi32>, vector<16xi32>, vector<16xi32>, vector<16xi32>, vector<16xi32>, vector<16xi32>, vector<16xi32>, vector<16xi32>, vector<16xi32>
            } else {
              scf.yield %while3A_571, %while3A_572, %while3A_573, %while3A_574, %while3A_575, %while3A_576, %while3A_577, %while3A_578, %while3A_579, %while3A_580, %while3A_581, %while3A_582, %while3A_583, %while3A_584, %while3A_585, %while3A_586, %while3A_587, %while3A_588, %while3A_589, %while3A_590, %while3A_591, %while3A_592, %while3A_593, %while3A_594 : vector<16xf32>, vector<16xf32>, vector<16xf32>, vector<16xf32>, vector<16xf32>, vector<16xf32>, vector<16xf32>, vector<16xf32>, vector<16xf32>, vector<16xf32>, vector<16xf32>, vector<16xf32>, vector<16xi32>, vector<16xi32>, vector<16xi32>, vector<16xi32>, vector<16xi32>, vector<16xi32>, vector<16xi32>, vector<16xi32>, vector<16xi32>, vector<16xi32>, vector<16xi32>, vector<16xi32>
            }
            scf.yield %cond3A_614#0, %cond3A_614#1, %cond3A_614#2, %cond3A_614#3, %cond3A_614#4, %cond3A_614#5, %cond3A_614#6, %cond3A_614#7, %cond3A_614#8, %cond3A_614#9, %cond3A_614#10, %cond3A_614#11, %cond3A_614#12, %cond3A_614#13, %cond3A_614#14, %cond3A_614#15, %cond3A_614#16, %cond3A_614#17, %cond3A_614#18, %cond3A_614#19, %cond3A_614#20, %cond3A_614#21, %cond3A_614#22, %cond3A_614#23 : vector<16xf32>, vector<16xf32>, vector<16xf32>, vector<16xf32>, vector<16xf32>, vector<16xf32>, vector<16xf32>, vector<16xf32>, vector<16xf32>, vector<16xf32>, vector<16xf32>, vector<16xf32>, vector<16xi32>, vector<16xi32>, vector<16xi32>, vector<16xi32>, vector<16xi32>, vector<16xi32>, vector<16xi32>, vector<16xi32>, vector<16xi32>, vector<16xi32>, vector<16xi32>, vector<16xi32>
          }
          scf.yield %while3A_569#0, %while3A_569#1, %while3A_569#2, %while3A_569#3, %while3A_569#4, %while3A_569#5, %while3A_569#6, %while3A_569#7, %while3A_569#8, %while3A_569#9, %while3A_569#10, %while3A_569#11, %while3A_569#12, %while3A_569#13, %while3A_569#14, %while3A_569#15, %while3A_569#16, %while3A_569#17, %while3A_569#18, %while3A_569#19, %while3A_569#20, %while3A_569#21, %while3A_569#22, %while3A_569#23 : vector<16xf32>, vector<16xf32>, vector<16xf32>, vector<16xf32>, vector<16xf32>, vector<16xf32>, vector<16xf32>, vector<16xf32>, vector<16xf32>, vector<16xf32>, vector<16xf32>, vector<16xf32>, vector<16xi32>, vector<16xi32>, vector<16xi32>, vector<16xi32>, vector<16xi32>, vector<16xi32>, vector<16xi32>, vector<16xi32>, vector<16xi32>, vector<16xi32>, vector<16xi32>, vector<16xi32>
        } else {
          scf.yield %scan3A_494, %scan3A_495, %scan3A_496, %scan3A_497, %scan3A_498, %scan3A_499, %scan3A_500, %scan3A_501, %scan3A_502, %scan3A_503, %scan3A_504, %scan3A_505, %scan3A_506, %scan3A_507, %scan3A_508, %scan3A_509, %scan3A_510, %scan3A_511, %scan3A_512, %scan3A_513, %scan3A_514, %scan3A_515, %scan3A_516, %scan3A_517 : vector<16xf32>, vector<16xf32>, vector<16xf32>, vector<16xf32>, vector<16xf32>, vector<16xf32>, vector<16xf32>, vector<16xf32>, vector<16xf32>, vector<16xf32>, vector<16xf32>, vector<16xf32>, vector<16xi32>, vector<16xi32>, vector<16xi32>, vector<16xi32>, vector<16xi32>, vector<16xi32>, vector<16xi32>, vector<16xi32>, vector<16xi32>, vector<16xi32>, vector<16xi32>, vector<16xi32>
        }
        scf.yield %cond3A_558#0, %cond3A_558#1, %cond3A_558#2, %cond3A_558#3, %cond3A_558#4, %cond3A_558#5, %cond3A_558#6, %cond3A_558#7, %cond3A_558#8, %cond3A_558#9, %cond3A_558#10, %cond3A_558#11, %cond3A_558#12, %cond3A_558#13, %cond3A_558#14, %cond3A_558#15, %cond3A_558#16, %cond3A_558#17, %cond3A_558#18, %cond3A_558#19, %cond3A_558#20, %cond3A_558#21, %cond3A_558#22, %cond3A_558#23 : vector<16xf32>, vector<16xf32>, vector<16xf32>, vector<16xf32>, vector<16xf32>, vector<16xf32>, vector<16xf32>, vector<16xf32>, vector<16xf32>, vector<16xf32>, vector<16xf32>, vector<16xf32>, vector<16xi32>, vector<16xi32>, vector<16xi32>, vector<16xi32>, vector<16xi32>, vector<16xi32>, vector<16xi32>, vector<16xi32>, vector<16xi32>, vector<16xi32>, vector<16xi32>, vector<16xi32>
      }
      %scan3A_133 = arith.constant 16 : i32
      %gt3A = arith.cmpf ogt, %scan3A_132#3, %scan3A_132#0 : vector<16xf32>
      %eq3A_134 = arith.cmpf oeq, %scan3A_132#3, %scan3A_132#0 : vector<16xf32>
      %lt3A_135 = arith.cmpi slt, %scan3A_132#15, %scan3A_132#12 : vector<16xi32>
      %and3A_136 = arith.andi %eq3A_134, %lt3A_135 : vector<16xi1>
      %or3A = arith.ori %gt3A, %and3A_136 : vector<16xi1>
      %select_n3A_137 = arith.select %or3A, %scan3A_132#3, %scan3A_132#0 : vector<16xi1>, vector<16xf32>
      %select_n3A_138 = arith.select %or3A, %scan3A_132#0, %scan3A_132#3 : vector<16xi1>, vector<16xf32>
      %select_n3A_139 = arith.select %or3A, %scan3A_132#15, %scan3A_132#12 : vector<16xi1>, vector<16xi32>
      %select_n3A_140 = arith.select %or3A, %scan3A_132#12, %scan3A_132#15 : vector<16xi1>, vector<16xi32>
      %gt3A_141 = arith.cmpf ogt, %select_n3A_138, %scan3A_132#1 : vector<16xf32>
      %eq3A_142 = arith.cmpf oeq, %select_n3A_138, %scan3A_132#1 : vector<16xf32>
      %lt3A_143 = arith.cmpi slt, %select_n3A_140, %scan3A_132#13 : vector<16xi32>
      %and3A_144 = arith.andi %eq3A_142, %lt3A_143 : vector<16xi1>
      %or3A_145 = arith.ori %gt3A_141, %and3A_144 : vector<16xi1>
      %select_n3A_146 = arith.select %or3A_145, %select_n3A_138, %scan3A_132#1 : vector<16xi1>, vector<16xf32>
      %select_n3A_147 = arith.select %or3A_145, %scan3A_132#1, %select_n3A_138 : vector<16xi1>, vector<16xf32>
      %select_n3A_148 = arith.select %or3A_145, %select_n3A_140, %scan3A_132#13 : vector<16xi1>, vector<16xi32>
      %select_n3A_149 = arith.select %or3A_145, %scan3A_132#13, %select_n3A_140 : vector<16xi1>, vector<16xi32>
      %gt3A_150 = arith.cmpf ogt, %select_n3A_147, %scan3A_132#2 : vector<16xf32>
      %eq3A_151 = arith.cmpf oeq, %select_n3A_147, %scan3A_132#2 : vector<16xf32>
      %lt3A_152 = arith.cmpi slt, %select_n3A_149, %scan3A_132#14 : vector<16xi32>
      %and3A_153 = arith.andi %eq3A_151, %lt3A_152 : vector<16xi1>
      %or3A_154 = arith.ori %gt3A_150, %and3A_153 : vector<16xi1>
      %select_n3A_155 = arith.select %or3A_154, %select_n3A_147, %scan3A_132#2 : vector<16xi1>, vector<16xf32>
      %select_n3A_156 = arith.select %or3A_154, %select_n3A_149, %scan3A_132#14 : vector<16xi1>, vector<16xi32>
      %gt3A_157 = arith.cmpf ogt, %scan3A_132#4, %select_n3A_137 : vector<16xf32>
      %eq3A_158 = arith.cmpf oeq, %scan3A_132#4, %select_n3A_137 : vector<16xf32>
      %lt3A_159 = arith.cmpi slt, %scan3A_132#16, %select_n3A_139 : vector<16xi32>
      %and3A_160 = arith.andi %eq3A_158, %lt3A_159 : vector<16xi1>
      %or3A_161 = arith.ori %gt3A_157, %and3A_160 : vector<16xi1>
      %select_n3A_162 = arith.select %or3A_161, %scan3A_132#4, %select_n3A_137 : vector<16xi1>, vector<16xf32>
      %select_n3A_163 = arith.select %or3A_161, %select_n3A_137, %scan3A_132#4 : vector<16xi1>, vector<16xf32>
      %select_n3A_164 = arith.select %or3A_161, %scan3A_132#16, %select_n3A_139 : vector<16xi1>, vector<16xi32>
      %select_n3A_165 = arith.select %or3A_161, %select_n3A_139, %scan3A_132#16 : vector<16xi1>, vector<16xi32>
      %gt3A_166 = arith.cmpf ogt, %select_n3A_163, %select_n3A_146 : vector<16xf32>
      %eq3A_167 = arith.cmpf oeq, %select_n3A_163, %select_n3A_146 : vector<16xf32>
      %lt3A_168 = arith.cmpi slt, %select_n3A_165, %select_n3A_148 : vector<16xi32>
      %and3A_169 = arith.andi %eq3A_167, %lt3A_168 : vector<16xi1>
      %or3A_170 = arith.ori %gt3A_166, %and3A_169 : vector<16xi1>
      %select_n3A_171 = arith.select %or3A_170, %select_n3A_163, %select_n3A_146 : vector<16xi1>, vector<16xf32>
      %select_n3A_172 = arith.select %or3A_170, %select_n3A_146, %select_n3A_163 : vector<16xi1>, vector<16xf32>
      %select_n3A_173 = arith.select %or3A_170, %select_n3A_165, %select_n3A_148 : vector<16xi1>, vector<16xi32>
      %select_n3A_174 = arith.select %or3A_170, %select_n3A_148, %select_n3A_165 : vector<16xi1>, vector<16xi32>
      %gt3A_175 = arith.cmpf ogt, %select_n3A_172, %select_n3A_155 : vector<16xf32>
      %eq3A_176 = arith.cmpf oeq, %select_n3A_172, %select_n3A_155 : vector<16xf32>
      %lt3A_177 = arith.cmpi slt, %select_n3A_174, %select_n3A_156 : vector<16xi32>
      %and3A_178 = arith.andi %eq3A_176, %lt3A_177 : vector<16xi1>
      %or3A_179 = arith.ori %gt3A_175, %and3A_178 : vector<16xi1>
      %select_n3A_180 = arith.select %or3A_179, %select_n3A_172, %select_n3A_155 : vector<16xi1>, vector<16xf32>
      %select_n3A_181 = arith.select %or3A_179, %select_n3A_174, %select_n3A_156 : vector<16xi1>, vector<16xi32>
      %gt3A_182 = arith.cmpf ogt, %scan3A_132#5, %select_n3A_162 : vector<16xf32>
      %eq3A_183 = arith.cmpf oeq, %scan3A_132#5, %select_n3A_162 : vector<16xf32>
      %lt3A_184 = arith.cmpi slt, %scan3A_132#17, %select_n3A_164 : vector<16xi32>
      %and3A_185 = arith.andi %eq3A_183, %lt3A_184 : vector<16xi1>
      %or3A_186 = arith.ori %gt3A_182, %and3A_185 : vector<16xi1>
      %select_n3A_187 = arith.select %or3A_186, %scan3A_132#5, %select_n3A_162 : vector<16xi1>, vector<16xf32>
      %select_n3A_188 = arith.select %or3A_186, %select_n3A_162, %scan3A_132#5 : vector<16xi1>, vector<16xf32>
      %select_n3A_189 = arith.select %or3A_186, %scan3A_132#17, %select_n3A_164 : vector<16xi1>, vector<16xi32>
      %select_n3A_190 = arith.select %or3A_186, %select_n3A_164, %scan3A_132#17 : vector<16xi1>, vector<16xi32>
      %gt3A_191 = arith.cmpf ogt, %select_n3A_188, %select_n3A_171 : vector<16xf32>
      %eq3A_192 = arith.cmpf oeq, %select_n3A_188, %select_n3A_171 : vector<16xf32>
      %lt3A_193 = arith.cmpi slt, %select_n3A_190, %select_n3A_173 : vector<16xi32>
      %and3A_194 = arith.andi %eq3A_192, %lt3A_193 : vector<16xi1>
      %or3A_195 = arith.ori %gt3A_191, %and3A_194 : vector<16xi1>
      %select_n3A_196 = arith.select %or3A_195, %select_n3A_188, %select_n3A_171 : vector<16xi1>, vector<16xf32>
      %select_n3A_197 = arith.select %or3A_195, %select_n3A_171, %select_n3A_188 : vector<16xi1>, vector<16xf32>
      %select_n3A_198 = arith.select %or3A_195, %select_n3A_190, %select_n3A_173 : vector<16xi1>, vector<16xi32>
      %select_n3A_199 = arith.select %or3A_195, %select_n3A_173, %select_n3A_190 : vector<16xi1>, vector<16xi32>
      %gt3A_200 = arith.cmpf ogt, %select_n3A_197, %select_n3A_180 : vector<16xf32>
      %eq3A_201 = arith.cmpf oeq, %select_n3A_197, %select_n3A_180 : vector<16xf32>
      %lt3A_202 = arith.cmpi slt, %select_n3A_199, %select_n3A_181 : vector<16xi32>
      %and3A_203 = arith.andi %eq3A_201, %lt3A_202 : vector<16xi1>
      %or3A_204 = arith.ori %gt3A_200, %and3A_203 : vector<16xi1>
      %select_n3A_205 = arith.select %or3A_204, %select_n3A_197, %select_n3A_180 : vector<16xi1>, vector<16xf32>
      %select_n3A_206 = arith.select %or3A_204, %select_n3A_199, %select_n3A_181 : vector<16xi1>, vector<16xi32>
      %gt3A_207 = arith.cmpf ogt, %scan3A_132#6, %select_n3A_187 : vector<16xf32>
      %eq3A_208 = arith.cmpf oeq, %scan3A_132#6, %select_n3A_187 : vector<16xf32>
      %lt3A_209 = arith.cmpi slt, %scan3A_132#18, %select_n3A_189 : vector<16xi32>
      %and3A_210 = arith.andi %eq3A_208, %lt3A_209 : vector<16xi1>
      %or3A_211 = arith.ori %gt3A_207, %and3A_210 : vector<16xi1>
      %select_n3A_212 = arith.select %or3A_211, %scan3A_132#6, %select_n3A_187 : vector<16xi1>, vector<16xf32>
      %select_n3A_213 = arith.select %or3A_211, %select_n3A_187, %scan3A_132#6 : vector<16xi1>, vector<16xf32>
      %select_n3A_214 = arith.select %or3A_211, %scan3A_132#18, %select_n3A_189 : vector<16xi1>, vector<16xi32>
      %select_n3A_215 = arith.select %or3A_211, %select_n3A_189, %scan3A_132#18 : vector<16xi1>, vector<16xi32>
      %gt3A_216 = arith.cmpf ogt, %select_n3A_213, %select_n3A_196 : vector<16xf32>
      %eq3A_217 = arith.cmpf oeq, %select_n3A_213, %select_n3A_196 : vector<16xf32>
      %lt3A_218 = arith.cmpi slt, %select_n3A_215, %select_n3A_198 : vector<16xi32>
      %and3A_219 = arith.andi %eq3A_217, %lt3A_218 : vector<16xi1>
      %or3A_220 = arith.ori %gt3A_216, %and3A_219 : vector<16xi1>
      %select_n3A_221 = arith.select %or3A_220, %select_n3A_213, %select_n3A_196 : vector<16xi1>, vector<16xf32>
      %select_n3A_222 = arith.select %or3A_220, %select_n3A_196, %select_n3A_213 : vector<16xi1>, vector<16xf32>
      %select_n3A_223 = arith.select %or3A_220, %select_n3A_215, %select_n3A_198 : vector<16xi1>, vector<16xi32>
      %select_n3A_224 = arith.select %or3A_220, %select_n3A_198, %select_n3A_215 : vector<16xi1>, vector<16xi32>
      %gt3A_225 = arith.cmpf ogt, %select_n3A_222, %select_n3A_205 : vector<16xf32>
      %eq3A_226 = arith.cmpf oeq, %select_n3A_222, %select_n3A_205 : vector<16xf32>
      %lt3A_227 = arith.cmpi slt, %select_n3A_224, %select_n3A_206 : vector<16xi32>
      %and3A_228 = arith.andi %eq3A_226, %lt3A_227 : vector<16xi1>
      %or3A_229 = arith.ori %gt3A_225, %and3A_228 : vector<16xi1>
      %select_n3A_230 = arith.select %or3A_229, %select_n3A_222, %select_n3A_205 : vector<16xi1>, vector<16xf32>
      %select_n3A_231 = arith.select %or3A_229, %select_n3A_224, %select_n3A_206 : vector<16xi1>, vector<16xi32>
      %gt3A_232 = arith.cmpf ogt, %scan3A_132#7, %select_n3A_212 : vector<16xf32>
      %eq3A_233 = arith.cmpf oeq, %scan3A_132#7, %select_n3A_212 : vector<16xf32>
      %lt3A_234 = arith.cmpi slt, %scan3A_132#19, %select_n3A_214 : vector<16xi32>
      %and3A_235 = arith.andi %eq3A_233, %lt3A_234 : vector<16xi1>
      %or3A_236 = arith.ori %gt3A_232, %and3A_235 : vector<16xi1>
      %select_n3A_237 = arith.select %or3A_236, %scan3A_132#7, %select_n3A_212 : vector<16xi1>, vector<16xf32>
      %select_n3A_238 = arith.select %or3A_236, %select_n3A_212, %scan3A_132#7 : vector<16xi1>, vector<16xf32>
      %select_n3A_239 = arith.select %or3A_236, %scan3A_132#19, %select_n3A_214 : vector<16xi1>, vector<16xi32>
      %select_n3A_240 = arith.select %or3A_236, %select_n3A_214, %scan3A_132#19 : vector<16xi1>, vector<16xi32>
      %gt3A_241 = arith.cmpf ogt, %select_n3A_238, %select_n3A_221 : vector<16xf32>
      %eq3A_242 = arith.cmpf oeq, %select_n3A_238, %select_n3A_221 : vector<16xf32>
      %lt3A_243 = arith.cmpi slt, %select_n3A_240, %select_n3A_223 : vector<16xi32>
      %and3A_244 = arith.andi %eq3A_242, %lt3A_243 : vector<16xi1>
      %or3A_245 = arith.ori %gt3A_241, %and3A_244 : vector<16xi1>
      %select_n3A_246 = arith.select %or3A_245, %select_n3A_238, %select_n3A_221 : vector<16xi1>, vector<16xf32>
      %select_n3A_247 = arith.select %or3A_245, %select_n3A_221, %select_n3A_238 : vector<16xi1>, vector<16xf32>
      %select_n3A_248 = arith.select %or3A_245, %select_n3A_240, %select_n3A_223 : vector<16xi1>, vector<16xi32>
      %select_n3A_249 = arith.select %or3A_245, %select_n3A_223, %select_n3A_240 : vector<16xi1>, vector<16xi32>
      %gt3A_250 = arith.cmpf ogt, %select_n3A_247, %select_n3A_230 : vector<16xf32>
      %eq3A_251 = arith.cmpf oeq, %select_n3A_247, %select_n3A_230 : vector<16xf32>
      %lt3A_252 = arith.cmpi slt, %select_n3A_249, %select_n3A_231 : vector<16xi32>
      %and3A_253 = arith.andi %eq3A_251, %lt3A_252 : vector<16xi1>
      %or3A_254 = arith.ori %gt3A_250, %and3A_253 : vector<16xi1>
      %select_n3A_255 = arith.select %or3A_254, %select_n3A_247, %select_n3A_230 : vector<16xi1>, vector<16xf32>
      %select_n3A_256 = arith.select %or3A_254, %select_n3A_249, %select_n3A_231 : vector<16xi1>, vector<16xi32>
      %gt3A_257 = arith.cmpf ogt, %scan3A_132#8, %select_n3A_237 : vector<16xf32>
      %eq3A_258 = arith.cmpf oeq, %scan3A_132#8, %select_n3A_237 : vector<16xf32>
      %lt3A_259 = arith.cmpi slt, %scan3A_132#20, %select_n3A_239 : vector<16xi32>
      %and3A_260 = arith.andi %eq3A_258, %lt3A_259 : vector<16xi1>
      %or3A_261 = arith.ori %gt3A_257, %and3A_260 : vector<16xi1>
      %select_n3A_262 = arith.select %or3A_261, %scan3A_132#8, %select_n3A_237 : vector<16xi1>, vector<16xf32>
      %select_n3A_263 = arith.select %or3A_261, %select_n3A_237, %scan3A_132#8 : vector<16xi1>, vector<16xf32>
      %select_n3A_264 = arith.select %or3A_261, %scan3A_132#20, %select_n3A_239 : vector<16xi1>, vector<16xi32>
      %select_n3A_265 = arith.select %or3A_261, %select_n3A_239, %scan3A_132#20 : vector<16xi1>, vector<16xi32>
      %gt3A_266 = arith.cmpf ogt, %select_n3A_263, %select_n3A_246 : vector<16xf32>
      %eq3A_267 = arith.cmpf oeq, %select_n3A_263, %select_n3A_246 : vector<16xf32>
      %lt3A_268 = arith.cmpi slt, %select_n3A_265, %select_n3A_248 : vector<16xi32>
      %and3A_269 = arith.andi %eq3A_267, %lt3A_268 : vector<16xi1>
      %or3A_270 = arith.ori %gt3A_266, %and3A_269 : vector<16xi1>
      %select_n3A_271 = arith.select %or3A_270, %select_n3A_263, %select_n3A_246 : vector<16xi1>, vector<16xf32>
      %select_n3A_272 = arith.select %or3A_270, %select_n3A_246, %select_n3A_263 : vector<16xi1>, vector<16xf32>
      %select_n3A_273 = arith.select %or3A_270, %select_n3A_265, %select_n3A_248 : vector<16xi1>, vector<16xi32>
      %select_n3A_274 = arith.select %or3A_270, %select_n3A_248, %select_n3A_265 : vector<16xi1>, vector<16xi32>
      %gt3A_275 = arith.cmpf ogt, %select_n3A_272, %select_n3A_255 : vector<16xf32>
      %eq3A_276 = arith.cmpf oeq, %select_n3A_272, %select_n3A_255 : vector<16xf32>
      %lt3A_277 = arith.cmpi slt, %select_n3A_274, %select_n3A_256 : vector<16xi32>
      %and3A_278 = arith.andi %eq3A_276, %lt3A_277 : vector<16xi1>
      %or3A_279 = arith.ori %gt3A_275, %and3A_278 : vector<16xi1>
      %select_n3A_280 = arith.select %or3A_279, %select_n3A_272, %select_n3A_255 : vector<16xi1>, vector<16xf32>
      %select_n3A_281 = arith.select %or3A_279, %select_n3A_274, %select_n3A_256 : vector<16xi1>, vector<16xi32>
      %gt3A_282 = arith.cmpf ogt, %scan3A_132#9, %select_n3A_262 : vector<16xf32>
      %eq3A_283 = arith.cmpf oeq, %scan3A_132#9, %select_n3A_262 : vector<16xf32>
      %lt3A_284 = arith.cmpi slt, %scan3A_132#21, %select_n3A_264 : vector<16xi32>
      %and3A_285 = arith.andi %eq3A_283, %lt3A_284 : vector<16xi1>
      %or3A_286 = arith.ori %gt3A_282, %and3A_285 : vector<16xi1>
      %select_n3A_287 = arith.select %or3A_286, %scan3A_132#9, %select_n3A_262 : vector<16xi1>, vector<16xf32>
      %select_n3A_288 = arith.select %or3A_286, %select_n3A_262, %scan3A_132#9 : vector<16xi1>, vector<16xf32>
      %select_n3A_289 = arith.select %or3A_286, %scan3A_132#21, %select_n3A_264 : vector<16xi1>, vector<16xi32>
      %select_n3A_290 = arith.select %or3A_286, %select_n3A_264, %scan3A_132#21 : vector<16xi1>, vector<16xi32>
      %gt3A_291 = arith.cmpf ogt, %select_n3A_288, %select_n3A_271 : vector<16xf32>
      %eq3A_292 = arith.cmpf oeq, %select_n3A_288, %select_n3A_271 : vector<16xf32>
      %lt3A_293 = arith.cmpi slt, %select_n3A_290, %select_n3A_273 : vector<16xi32>
      %and3A_294 = arith.andi %eq3A_292, %lt3A_293 : vector<16xi1>
      %or3A_295 = arith.ori %gt3A_291, %and3A_294 : vector<16xi1>
      %select_n3A_296 = arith.select %or3A_295, %select_n3A_288, %select_n3A_271 : vector<16xi1>, vector<16xf32>
      %select_n3A_297 = arith.select %or3A_295, %select_n3A_271, %select_n3A_288 : vector<16xi1>, vector<16xf32>
      %select_n3A_298 = arith.select %or3A_295, %select_n3A_290, %select_n3A_273 : vector<16xi1>, vector<16xi32>
      %select_n3A_299 = arith.select %or3A_295, %select_n3A_273, %select_n3A_290 : vector<16xi1>, vector<16xi32>
      %gt3A_300 = arith.cmpf ogt, %select_n3A_297, %select_n3A_280 : vector<16xf32>
      %eq3A_301 = arith.cmpf oeq, %select_n3A_297, %select_n3A_280 : vector<16xf32>
      %lt3A_302 = arith.cmpi slt, %select_n3A_299, %select_n3A_281 : vector<16xi32>
      %and3A_303 = arith.andi %eq3A_301, %lt3A_302 : vector<16xi1>
      %or3A_304 = arith.ori %gt3A_300, %and3A_303 : vector<16xi1>
      %select_n3A_305 = arith.select %or3A_304, %select_n3A_297, %select_n3A_280 : vector<16xi1>, vector<16xf32>
      %select_n3A_306 = arith.select %or3A_304, %select_n3A_299, %select_n3A_281 : vector<16xi1>, vector<16xi32>
      %gt3A_307 = arith.cmpf ogt, %scan3A_132#10, %select_n3A_287 : vector<16xf32>
      %eq3A_308 = arith.cmpf oeq, %scan3A_132#10, %select_n3A_287 : vector<16xf32>
      %lt3A_309 = arith.cmpi slt, %scan3A_132#22, %select_n3A_289 : vector<16xi32>
      %and3A_310 = arith.andi %eq3A_308, %lt3A_309 : vector<16xi1>
      %or3A_311 = arith.ori %gt3A_307, %and3A_310 : vector<16xi1>
      %select_n3A_312 = arith.select %or3A_311, %scan3A_132#10, %select_n3A_287 : vector<16xi1>, vector<16xf32>
      %select_n3A_313 = arith.select %or3A_311, %select_n3A_287, %scan3A_132#10 : vector<16xi1>, vector<16xf32>
      %select_n3A_314 = arith.select %or3A_311, %scan3A_132#22, %select_n3A_289 : vector<16xi1>, vector<16xi32>
      %select_n3A_315 = arith.select %or3A_311, %select_n3A_289, %scan3A_132#22 : vector<16xi1>, vector<16xi32>
      %gt3A_316 = arith.cmpf ogt, %select_n3A_313, %select_n3A_296 : vector<16xf32>
      %eq3A_317 = arith.cmpf oeq, %select_n3A_313, %select_n3A_296 : vector<16xf32>
      %lt3A_318 = arith.cmpi slt, %select_n3A_315, %select_n3A_298 : vector<16xi32>
      %and3A_319 = arith.andi %eq3A_317, %lt3A_318 : vector<16xi1>
      %or3A_320 = arith.ori %gt3A_316, %and3A_319 : vector<16xi1>
      %select_n3A_321 = arith.select %or3A_320, %select_n3A_313, %select_n3A_296 : vector<16xi1>, vector<16xf32>
      %select_n3A_322 = arith.select %or3A_320, %select_n3A_296, %select_n3A_313 : vector<16xi1>, vector<16xf32>
      %select_n3A_323 = arith.select %or3A_320, %select_n3A_315, %select_n3A_298 : vector<16xi1>, vector<16xi32>
      %select_n3A_324 = arith.select %or3A_320, %select_n3A_298, %select_n3A_315 : vector<16xi1>, vector<16xi32>
      %gt3A_325 = arith.cmpf ogt, %select_n3A_322, %select_n3A_305 : vector<16xf32>
      %eq3A_326 = arith.cmpf oeq, %select_n3A_322, %select_n3A_305 : vector<16xf32>
      %lt3A_327 = arith.cmpi slt, %select_n3A_324, %select_n3A_306 : vector<16xi32>
      %and3A_328 = arith.andi %eq3A_326, %lt3A_327 : vector<16xi1>
      %or3A_329 = arith.ori %gt3A_325, %and3A_328 : vector<16xi1>
      %select_n3A_330 = arith.select %or3A_329, %select_n3A_322, %select_n3A_305 : vector<16xi1>, vector<16xf32>
      %select_n3A_331 = arith.select %or3A_329, %select_n3A_324, %select_n3A_306 : vector<16xi1>, vector<16xi32>
      %gt3A_332 = arith.cmpf ogt, %scan3A_132#11, %select_n3A_312 : vector<16xf32>
      %eq3A_333 = arith.cmpf oeq, %scan3A_132#11, %select_n3A_312 : vector<16xf32>
      %lt3A_334 = arith.cmpi slt, %scan3A_132#23, %select_n3A_314 : vector<16xi32>
      %and3A_335 = arith.andi %eq3A_333, %lt3A_334 : vector<16xi1>
      %or3A_336 = arith.ori %gt3A_332, %and3A_335 : vector<16xi1>
      %select_n3A_337 = arith.select %or3A_336, %scan3A_132#11, %select_n3A_312 : vector<16xi1>, vector<16xf32>
      %select_n3A_338 = arith.select %or3A_336, %select_n3A_312, %scan3A_132#11 : vector<16xi1>, vector<16xf32>
      %select_n3A_339 = arith.select %or3A_336, %scan3A_132#23, %select_n3A_314 : vector<16xi1>, vector<16xi32>
      %select_n3A_340 = arith.select %or3A_336, %select_n3A_314, %scan3A_132#23 : vector<16xi1>, vector<16xi32>
      %gt3A_341 = arith.cmpf ogt, %select_n3A_338, %select_n3A_321 : vector<16xf32>
      %eq3A_342 = arith.cmpf oeq, %select_n3A_338, %select_n3A_321 : vector<16xf32>
      %lt3A_343 = arith.cmpi slt, %select_n3A_340, %select_n3A_323 : vector<16xi32>
      %and3A_344 = arith.andi %eq3A_342, %lt3A_343 : vector<16xi1>
      %or3A_345 = arith.ori %gt3A_341, %and3A_344 : vector<16xi1>
      %select_n3A_346 = arith.select %or3A_345, %select_n3A_338, %select_n3A_321 : vector<16xi1>, vector<16xf32>
      %select_n3A_347 = arith.select %or3A_345, %select_n3A_321, %select_n3A_338 : vector<16xi1>, vector<16xf32>
      %select_n3A_348 = arith.select %or3A_345, %select_n3A_340, %select_n3A_323 : vector<16xi1>, vector<16xi32>
      %select_n3A_349 = arith.select %or3A_345, %select_n3A_323, %select_n3A_340 : vector<16xi1>, vector<16xi32>
      %gt3A_350 = arith.cmpf ogt, %select_n3A_347, %select_n3A_330 : vector<16xf32>
      %eq3A_351 = arith.cmpf oeq, %select_n3A_347, %select_n3A_330 : vector<16xf32>
      %lt3A_352 = arith.cmpi slt, %select_n3A_349, %select_n3A_331 : vector<16xi32>
      %and3A_353 = arith.andi %eq3A_351, %lt3A_352 : vector<16xi1>
      %or3A_354 = arith.ori %gt3A_350, %and3A_353 : vector<16xi1>
      %select_n3A_355 = arith.select %or3A_354, %select_n3A_347, %select_n3A_330 : vector<16xi1>, vector<16xf32>
      %select_n3A_356 = arith.select %or3A_354, %select_n3A_349, %select_n3A_331 : vector<16xi1>, vector<16xi32>
      %add3A_357 = arith.constant 0xFF800000 : f32
      %add3A_358 = vector.broadcast %add3A_357 : f32 to vector<16xf32>
      %add3A_359 = arith.addf %mul3A_38, %add3A_358 : vector<16xf32>
      %mul3A_360 = arith.constant 0 : i32
      %mul3A_361 = vector.broadcast %mul3A_360 : i32 to vector<16xi32>
      %mul3A_362 = arith.muli %iota3A, %mul3A_361 : vector<16xi32>
      %reduce_max3A_363 = arith.constant true
      %reduce_max3A_364 = vector.broadcast %reduce_max3A_363 : i1 to vector<16xi1>
      %reduce_max3A_365 = tpu.scan <max>, %select_n3A_337 masked %reduce_max3A_364 : vector<16xf32>, vector<16xi1> -> vector<16xf32>
      %reduce_max3A_366 = vector.extract %reduce_max3A_365[15] : f32 from vector<16xf32>
      %eq3A_367 = vector.broadcast %reduce_max3A_366 : f32 to vector<16xf32>
      %eq3A_368 = arith.cmpf oeq, %select_n3A_337, %eq3A_367 : vector<16xf32>
      %jit3A_369 = arith.constant 2147483647 : i32
      %broadcast_in_dim3A_370 = vector.broadcast %jit3A_369 : i32 to vector<16xi32>
      %select_n3A_371 = arith.select %eq3A_368, %select_n3A_339, %broadcast_in_dim3A_370 : vector<16xi1>, vector<16xi32>
      %reduce_min3A_372 = arith.constant true
      %reduce_min3A_373 = vector.broadcast %reduce_min3A_372 : i1 to vector<16xi1>
      %reduce_min3A_374 = arith.constant -2147483648 : i32
      %reduce_min3A_375 = vector.broadcast %reduce_min3A_374 : i32 to vector<16xi32>
      %reduce_min3A_376 = arith.xori %select_n3A_371, %reduce_min3A_375 : vector<16xi32>
      %reduce_min3A_377 = tpu.scan <min>, %reduce_min3A_376 masked %reduce_min3A_373 : vector<16xi32>, vector<16xi1> -> vector<16xi32>
      %reduce_min3A_378 = arith.xori %reduce_min3A_377, %reduce_min3A_375 : vector<16xi32>
      %reduce_min3A_379 = vector.extract %reduce_min3A_378[15] : i32 from vector<16xi32>
      %eq3A_380 = arith.constant 0 : i32
      %eq3A_381 = vector.broadcast %eq3A_380 : i32 to vector<16xi32>
      %eq3A_382 = arith.cmpi eq, %iota3A, %eq3A_381 : vector<16xi32>
      %broadcast_in_dim3A_383 = vector.broadcast %reduce_max3A_366 : f32 to vector<16xf32>
      %select_n3A_384 = arith.select %eq3A_382, %broadcast_in_dim3A_383, %add3A_359 : vector<16xi1>, vector<16xf32>
      %eq3A_385 = arith.constant 0 : i32
      %eq3A_386 = vector.broadcast %eq3A_385 : i32 to vector<16xi32>
      %eq3A_387 = arith.cmpi eq, %iota3A, %eq3A_386 : vector<16xi32>
      %broadcast_in_dim3A_388 = vector.broadcast %reduce_min3A_379 : i32 to vector<16xi32>
      %select_n3A_389 = arith.select %eq3A_387, %broadcast_in_dim3A_388, %mul3A_362 : vector<16xi1>, vector<16xi32>
      %eq3A_390 = vector.broadcast %reduce_min3A_379 : i32 to vector<16xi32>
      %eq3A_391 = arith.cmpi eq, %select_n3A_339, %eq3A_390 : vector<16xi32>
      %and3A_392 = arith.andi %eq3A_368, %eq3A_391 : vector<16xi1>
      %select_n3A_393 = arith.select %and3A_392, %select_n3A_346, %select_n3A_337 : vector<16xi1>, vector<16xf32>
      %select_n3A_394 = arith.select %and3A_392, %select_n3A_348, %select_n3A_339 : vector<16xi1>, vector<16xi32>
      %select_n3A_395 = arith.select %and3A_392, %select_n3A_355, %select_n3A_346 : vector<16xi1>, vector<16xf32>
      %select_n3A_396 = arith.select %and3A_392, %select_n3A_356, %select_n3A_348 : vector<16xi1>, vector<16xi32>
      %jit3A_397 = arith.constant 0xFF800000 : f32
      %broadcast_in_dim3A_398 = vector.broadcast %jit3A_397 : f32 to vector<16xf32>
      %select_n3A_399 = arith.select %and3A_392, %broadcast_in_dim3A_398, %select_n3A_355 : vector<16xi1>, vector<16xf32>
      %jit3A_400 = arith.constant 2147483647 : i32
      %broadcast_in_dim3A_401 = vector.broadcast %jit3A_400 : i32 to vector<16xi32>
      %select_n3A_402 = arith.select %and3A_392, %broadcast_in_dim3A_401, %select_n3A_356 : vector<16xi1>, vector<16xi32>
      %reduce_max3A_403 = arith.constant true
      %reduce_max3A_404 = vector.broadcast %reduce_max3A_403 : i1 to vector<16xi1>
      %reduce_max3A_405 = tpu.scan <max>, %select_n3A_393 masked %reduce_max3A_404 : vector<16xf32>, vector<16xi1> -> vector<16xf32>
      %reduce_max3A_406 = vector.extract %reduce_max3A_405[15] : f32 from vector<16xf32>
      %eq3A_407 = vector.broadcast %reduce_max3A_406 : f32 to vector<16xf32>
      %eq3A_408 = arith.cmpf oeq, %select_n3A_393, %eq3A_407 : vector<16xf32>
      %jit3A_409 = arith.constant 2147483647 : i32
      %broadcast_in_dim3A_410 = vector.broadcast %jit3A_409 : i32 to vector<16xi32>
      %select_n3A_411 = arith.select %eq3A_408, %select_n3A_394, %broadcast_in_dim3A_410 : vector<16xi1>, vector<16xi32>
      %reduce_min3A_412 = arith.constant true
      %reduce_min3A_413 = vector.broadcast %reduce_min3A_412 : i1 to vector<16xi1>
      %reduce_min3A_414 = arith.constant -2147483648 : i32
      %reduce_min3A_415 = vector.broadcast %reduce_min3A_414 : i32 to vector<16xi32>
      %reduce_min3A_416 = arith.xori %select_n3A_411, %reduce_min3A_415 : vector<16xi32>
      %reduce_min3A_417 = tpu.scan <min>, %reduce_min3A_416 masked %reduce_min3A_413 : vector<16xi32>, vector<16xi1> -> vector<16xi32>
      %reduce_min3A_418 = arith.xori %reduce_min3A_417, %reduce_min3A_415 : vector<16xi32>
      %reduce_min3A_419 = vector.extract %reduce_min3A_418[15] : i32 from vector<16xi32>
      %eq3A_420 = arith.constant 1 : i32
      %eq3A_421 = vector.broadcast %eq3A_420 : i32 to vector<16xi32>
      %eq3A_422 = arith.cmpi eq, %iota3A, %eq3A_421 : vector<16xi32>
      %broadcast_in_dim3A_423 = vector.broadcast %reduce_max3A_406 : f32 to vector<16xf32>
      %select_n3A_424 = arith.select %eq3A_422, %broadcast_in_dim3A_423, %select_n3A_384 : vector<16xi1>, vector<16xf32>
      %eq3A_425 = arith.constant 1 : i32
      %eq3A_426 = vector.broadcast %eq3A_425 : i32 to vector<16xi32>
      %eq3A_427 = arith.cmpi eq, %iota3A, %eq3A_426 : vector<16xi32>
      %broadcast_in_dim3A_428 = vector.broadcast %reduce_min3A_419 : i32 to vector<16xi32>
      %select_n3A_429 = arith.select %eq3A_427, %broadcast_in_dim3A_428, %select_n3A_389 : vector<16xi1>, vector<16xi32>
      %eq3A_430 = vector.broadcast %reduce_min3A_419 : i32 to vector<16xi32>
      %eq3A_431 = arith.cmpi eq, %select_n3A_394, %eq3A_430 : vector<16xi32>
      %and3A_432 = arith.andi %eq3A_408, %eq3A_431 : vector<16xi1>
      %select_n3A_433 = arith.select %and3A_432, %select_n3A_395, %select_n3A_393 : vector<16xi1>, vector<16xf32>
      %select_n3A_434 = arith.select %and3A_432, %select_n3A_396, %select_n3A_394 : vector<16xi1>, vector<16xi32>
      %select_n3A_435 = arith.select %and3A_432, %select_n3A_399, %select_n3A_395 : vector<16xi1>, vector<16xf32>
      %select_n3A_436 = arith.select %and3A_432, %select_n3A_402, %select_n3A_396 : vector<16xi1>, vector<16xi32>
      %jit3A_437 = arith.constant 0xFF800000 : f32
      %broadcast_in_dim3A_438 = vector.broadcast %jit3A_437 : f32 to vector<16xf32>
      %select_n3A_439 = arith.select %and3A_432, %broadcast_in_dim3A_438, %select_n3A_399 : vector<16xi1>, vector<16xf32>
      %jit3A_440 = arith.constant 2147483647 : i32
      %broadcast_in_dim3A_441 = vector.broadcast %jit3A_440 : i32 to vector<16xi32>
      %select_n3A_442 = arith.select %and3A_432, %broadcast_in_dim3A_441, %select_n3A_402 : vector<16xi1>, vector<16xi32>
      %reduce_max3A_443 = arith.constant true
      %reduce_max3A_444 = vector.broadcast %reduce_max3A_443 : i1 to vector<16xi1>
      %reduce_max3A_445 = tpu.scan <max>, %select_n3A_433 masked %reduce_max3A_444 : vector<16xf32>, vector<16xi1> -> vector<16xf32>
      %reduce_max3A_446 = vector.extract %reduce_max3A_445[15] : f32 from vector<16xf32>
      %eq3A_447 = vector.broadcast %reduce_max3A_446 : f32 to vector<16xf32>
      %eq3A_448 = arith.cmpf oeq, %select_n3A_433, %eq3A_447 : vector<16xf32>
      %jit3A_449 = arith.constant 2147483647 : i32
      %broadcast_in_dim3A_450 = vector.broadcast %jit3A_449 : i32 to vector<16xi32>
      %select_n3A_451 = arith.select %eq3A_448, %select_n3A_434, %broadcast_in_dim3A_450 : vector<16xi1>, vector<16xi32>
      %reduce_min3A_452 = arith.constant true
      %reduce_min3A_453 = vector.broadcast %reduce_min3A_452 : i1 to vector<16xi1>
      %reduce_min3A_454 = arith.constant -2147483648 : i32
      %reduce_min3A_455 = vector.broadcast %reduce_min3A_454 : i32 to vector<16xi32>
      %reduce_min3A_456 = arith.xori %select_n3A_451, %reduce_min3A_455 : vector<16xi32>
      %reduce_min3A_457 = tpu.scan <min>, %reduce_min3A_456 masked %reduce_min3A_453 : vector<16xi32>, vector<16xi1> -> vector<16xi32>
      %reduce_min3A_458 = arith.xori %reduce_min3A_457, %reduce_min3A_455 : vector<16xi32>
      %reduce_min3A_459 = vector.extract %reduce_min3A_458[15] : i32 from vector<16xi32>
      %eq3A_460 = arith.constant 2 : i32
      %eq3A_461 = vector.broadcast %eq3A_460 : i32 to vector<16xi32>
      %eq3A_462 = arith.cmpi eq, %iota3A, %eq3A_461 : vector<16xi32>
      %broadcast_in_dim3A_463 = vector.broadcast %reduce_max3A_446 : f32 to vector<16xf32>
      %select_n3A_464 = arith.select %eq3A_462, %broadcast_in_dim3A_463, %select_n3A_424 : vector<16xi1>, vector<16xf32>
      %eq3A_465 = arith.constant 2 : i32
      %eq3A_466 = vector.broadcast %eq3A_465 : i32 to vector<16xi32>
      %eq3A_467 = arith.cmpi eq, %iota3A, %eq3A_466 : vector<16xi32>
      %broadcast_in_dim3A_468 = vector.broadcast %reduce_min3A_459 : i32 to vector<16xi32>
      %select_n3A_469 = arith.select %eq3A_467, %broadcast_in_dim3A_468, %select_n3A_429 : vector<16xi1>, vector<16xi32>
      %eq3A_470 = vector.broadcast %reduce_min3A_459 : i32 to vector<16xi32>
      %eq3A_471 = arith.cmpi eq, %select_n3A_434, %eq3A_470 : vector<16xi32>
      %and3A_472 = arith.andi %eq3A_448, %eq3A_471 : vector<16xi1>
      %select_n3A_473 = arith.select %and3A_472, %select_n3A_435, %select_n3A_433 : vector<16xi1>, vector<16xf32>
      %select_n3A_474 = arith.select %and3A_472, %select_n3A_436, %select_n3A_434 : vector<16xi1>, vector<16xi32>
      %select_n3A_475 = arith.select %and3A_472, %select_n3A_439, %select_n3A_435 : vector<16xi1>, vector<16xf32>
      %select_n3A_476 = arith.select %and3A_472, %select_n3A_442, %select_n3A_436 : vector<16xi1>, vector<16xi32>
      %jit3A_477 = arith.constant 0xFF800000 : f32
      %broadcast_in_dim3A_478 = vector.broadcast %jit3A_477 : f32 to vector<16xf32>
      %select_n3A_479 = arith.select %and3A_472, %broadcast_in_dim3A_478, %select_n3A_439 : vector<16xi1>, vector<16xf32>
      %jit3A_480 = arith.constant 2147483647 : i32
      %broadcast_in_dim3A_481 = vector.broadcast %jit3A_480 : i32 to vector<16xi32>
      %select_n3A_482 = arith.select %and3A_472, %broadcast_in_dim3A_481, %select_n3A_442 : vector<16xi1>, vector<16xi32>
      %lt3A_483 = arith.constant 8 : i32
      %lt3A_484 = vector.broadcast %lt3A_483 : i32 to vector<16xi32>
      %lt3A_485 = arith.cmpi slt, %iota3A, %lt3A_484 : vector<16xi32>
      %mul3A_486 = arith.constant 8 : i32
      %mul3A_487 = arith.muli %scan3A_21, %mul3A_486 : i32
      %swap3A = arith.index_cast %mul3A_487 : i32 to index
      %swap3A_488 = tpu.vector_load %arg7[%swap3A] masked %lt3A_485 {strides = array<i32>} : memref<32xf32, #tpu.memory_space<vmem>>, vector<16xf32>, vector<16xi1>
      tpu.vector_store %arg7[%swap3A], %select_n3A_464 masked %lt3A_485 {strides = array<i32>} : memref<32xf32, #tpu.memory_space<vmem>>, vector<16xf32>, vector<16xi1>
      %mul3A_489 = arith.constant 8 : i32
      %mul3A_490 = arith.muli %scan3A_21, %mul3A_489 : i32
      %swap3A_491 = arith.index_cast %mul3A_490 : i32 to index
      %swap3A_492 = tpu.vector_load %arg8[%swap3A_491] masked %lt3A_485 {strides = array<i32>} : memref<32xi32, #tpu.memory_space<vmem>>, vector<16xi32>, vector<16xi1>
      tpu.vector_store %arg8[%swap3A_491], %select_n3A_469 masked %lt3A_485 {strides = array<i32>} : memref<32xi32, #tpu.memory_space<vmem>>, vector<16xi32>, vector<16xi1>
    }
    %scan3A_16 = arith.constant 2 : i32
    %mul3A_17 = arith.constant 8 : i32
    %mul3A_18 = arith.muli %mul3A_2, %mul3A_17 : i32
    "tpu.region"() ({
      %run_scoped3A = tpu.sem_alloc : memref<!tpu.dma_semaphore, #tpu.memory_space<semaphore_mem>>
      %dma_start3A_21 = arith.constant 0 : i32
      %dma_start3A_22 = tpu.memref_slice %arg7[%dma_start3A_21] : memref<32xf32, #tpu.memory_space<vmem>> -> memref<16xf32, #tpu.memory_space<vmem>>
      %dma_start3A_23 = tpu.memref_slice %arg3[%mul3A_18] : memref<512xf32, #tpu.memory_space<hbm>> -> memref<16xf32, #tpu.memory_space<hbm>>
      %dma_start3A_24 = tpu.memref_slice %arg3[%mul3A_18] : memref<512xf32, #tpu.memory_space<hbm>> -> memref<16xf32, #tpu.memory_space<hbm>>
      %dma_start3A_25 = arith.constant 0 : i32
      %dma_start3A_26 = tpu.memref_slice %arg7[%dma_start3A_25] : memref<32xf32, #tpu.memory_space<vmem>> -> memref<16xf32, #tpu.memory_space<vmem>>
      tpu.enqueue_dma source(%dma_start3A_26 : memref<16xf32, #tpu.memory_space<vmem>>) target(%dma_start3A_24 : memref<16xf32, #tpu.memory_space<hbm>>) target_semaphore(%run_scoped3A : memref<!tpu.dma_semaphore, #tpu.memory_space<semaphore_mem>>)
      %dma_wait3A = arith.constant 0 : i32
      %dma_wait3A_27 = tpu.memref_slice %arg7[%dma_wait3A] : memref<32xf32, #tpu.memory_space<vmem>> -> memref<16xf32, #tpu.memory_space<vmem>>
      %dma_wait3A_28 = tpu.memref_slice %arg3[%mul3A_18] : memref<512xf32, #tpu.memory_space<hbm>> -> memref<16xf32, #tpu.memory_space<hbm>>
      %dma_wait3A_29 = tpu.memref_slice %arg3[%mul3A_18] : memref<512xf32, #tpu.memory_space<hbm>> -> memref<16xf32, #tpu.memory_space<hbm>>
      %dma_wait3A_30 = arith.constant 0 : i32
      %dma_wait3A_31 = tpu.memref_slice %arg7[%dma_wait3A_30] : memref<32xf32, #tpu.memory_space<vmem>> -> memref<16xf32, #tpu.memory_space<vmem>>
      tpu.wait_dma2 semaphore(%run_scoped3A : memref<!tpu.dma_semaphore, #tpu.memory_space<semaphore_mem>>) src(%dma_wait3A_31 : memref<16xf32, #tpu.memory_space<vmem>>) dst(%dma_wait3A_29 : memref<16xf32, #tpu.memory_space<hbm>>)
      tpu.yield
    }) : () -> ()
    %mul3A_19 = arith.constant 8 : i32
    %mul3A_20 = arith.muli %mul3A_2, %mul3A_19 : i32
    "tpu.region"() ({
      %run_scoped3A = tpu.sem_alloc : memref<!tpu.dma_semaphore, #tpu.memory_space<semaphore_mem>>
      %dma_start3A_21 = arith.constant 0 : i32
      %dma_start3A_22 = tpu.memref_slice %arg8[%dma_start3A_21] : memref<32xi32, #tpu.memory_space<vmem>> -> memref<16xi32, #tpu.memory_space<vmem>>
      %dma_start3A_23 = tpu.memref_slice %arg4[%mul3A_20] : memref<512xi32, #tpu.memory_space<hbm>> -> memref<16xi32, #tpu.memory_space<hbm>>
      %dma_start3A_24 = tpu.memref_slice %arg4[%mul3A_20] : memref<512xi32, #tpu.memory_space<hbm>> -> memref<16xi32, #tpu.memory_space<hbm>>
      %dma_start3A_25 = arith.constant 0 : i32
      %dma_start3A_26 = tpu.memref_slice %arg8[%dma_start3A_25] : memref<32xi32, #tpu.memory_space<vmem>> -> memref<16xi32, #tpu.memory_space<vmem>>
      tpu.enqueue_dma source(%dma_start3A_26 : memref<16xi32, #tpu.memory_space<vmem>>) target(%dma_start3A_24 : memref<16xi32, #tpu.memory_space<hbm>>) target_semaphore(%run_scoped3A : memref<!tpu.dma_semaphore, #tpu.memory_space<semaphore_mem>>)
      %dma_wait3A = arith.constant 0 : i32
      %dma_wait3A_27 = tpu.memref_slice %arg8[%dma_wait3A] : memref<32xi32, #tpu.memory_space<vmem>> -> memref<16xi32, #tpu.memory_space<vmem>>
      %dma_wait3A_28 = tpu.memref_slice %arg4[%mul3A_20] : memref<512xi32, #tpu.memory_space<hbm>> -> memref<16xi32, #tpu.memory_space<hbm>>
      %dma_wait3A_29 = tpu.memref_slice %arg4[%mul3A_20] : memref<512xi32, #tpu.memory_space<hbm>> -> memref<16xi32, #tpu.memory_space<hbm>>
      %dma_wait3A_30 = arith.constant 0 : i32
      %dma_wait3A_31 = tpu.memref_slice %arg8[%dma_wait3A_30] : memref<32xi32, #tpu.memory_space<vmem>> -> memref<16xi32, #tpu.memory_space<vmem>>
      tpu.wait_dma2 semaphore(%run_scoped3A : memref<!tpu.dma_semaphore, #tpu.memory_space<semaphore_mem>>) src(%dma_wait3A_31 : memref<16xi32, #tpu.memory_space<vmem>>) dst(%dma_wait3A_29 : memref<16xi32, #tpu.memory_space<hbm>>)
      tpu.yield
    }) : () -> ()
    return
  }
}

module attributes {stable_mosaic.version = 14 : i64} {
  func.func @_tc_body(%arg0: i32, %arg1: memref<32x32768xf32, #tpu.memory_space<vmem>>, %arg2: memref<32x3xf32, #tpu.memory_space<vmem>>, %arg3: memref<32x3xi32, #tpu.memory_space<vmem>>) attributes {dimension_semantics = [#tpu.dimension_semantics<arbitrary>], iteration_bounds = array<i64: 2>, scalar_prefetch = 0 : i64, scratch_operands = 0 : i64, tpu.core_type = #tpu.core_type<tc>, window_params = [{transform_indices = @transform_0, window_bounds = array<i64: 32, 32768>}, {transform_indices = @transform_1, window_bounds = array<i64: 32, 3>}, {transform_indices = @transform_2, window_bounds = array<i64: 32, 3>}]} {
    %get3A = arith.constant 0 : index
    %get3A_0 = arith.constant 0 : index
    %get3A_1 = vector.load %arg1[%get3A, %get3A_0] : memref<32x32768xf32, #tpu.memory_space<vmem>>, vector<32x32768xf32>
    %iota3A = tpu.iota {dimensions = array<i32: 1>} : vector<32x32768xi32>
    %reduce_max3A = arith.constant dense<0xFF800000> : vector<32xf32>
    %reduce_max3A_2 = vector.multi_reduction <maximumf>, %get3A_1, %reduce_max3A [1] : vector<32x32768xf32> to vector<32xf32>
    %broadcast_in_dim3A = vector.shape_cast %reduce_max3A_2 : vector<32xf32> to vector<32x1xf32>
    %eq3A = vector.broadcast %broadcast_in_dim3A : vector<32x1xf32> to vector<32x32768xf32>
    %eq3A_3 = arith.cmpf oeq, %get3A_1, %eq3A : vector<32x32768xf32>
    %jit3A = arith.constant 2147483647 : i32
    %broadcast_in_dim3A_4 = vector.broadcast %jit3A : i32 to vector<32x32768xi32>
    %select_n3A = arith.select %eq3A_3, %iota3A, %broadcast_in_dim3A_4 : vector<32x32768xi1>, vector<32x32768xi32>
    %reduce_min3A = arith.constant dense<2147483647> : vector<32xi32>
    %reduce_min3A_5 = vector.multi_reduction <minsi>, %select_n3A, %reduce_min3A [1] : vector<32x32768xi32> to vector<32xi32>
    %broadcast_in_dim3A_6 = vector.shape_cast %reduce_min3A_5 : vector<32xi32> to vector<32x1xi32>
    %eq3A_7 = vector.broadcast %broadcast_in_dim3A_6 : vector<32x1xi32> to vector<32x32768xi32>
    %eq3A_8 = arith.cmpi eq, %iota3A, %eq3A_7 : vector<32x32768xi32>
    %jit3A_9 = arith.constant 0xFF800000 : f32
    %broadcast_in_dim3A_10 = vector.broadcast %jit3A_9 : f32 to vector<32x32768xf32>
    %select_n3A_11 = arith.select %eq3A_8, %broadcast_in_dim3A_10, %get3A_1 : vector<32x32768xi1>, vector<32x32768xf32>
    %reduce_max3A_12 = arith.constant dense<0xFF800000> : vector<32xf32>
    %reduce_max3A_13 = vector.multi_reduction <maximumf>, %select_n3A_11, %reduce_max3A_12 [1] : vector<32x32768xf32> to vector<32xf32>
    %broadcast_in_dim3A_14 = vector.shape_cast %reduce_max3A_13 : vector<32xf32> to vector<32x1xf32>
    %eq3A_15 = vector.broadcast %broadcast_in_dim3A_14 : vector<32x1xf32> to vector<32x32768xf32>
    %eq3A_16 = arith.cmpf oeq, %select_n3A_11, %eq3A_15 : vector<32x32768xf32>
    %jit3A_17 = arith.constant 2147483647 : i32
    %broadcast_in_dim3A_18 = vector.broadcast %jit3A_17 : i32 to vector<32x32768xi32>
    %select_n3A_19 = arith.select %eq3A_16, %iota3A, %broadcast_in_dim3A_18 : vector<32x32768xi1>, vector<32x32768xi32>
    %reduce_min3A_20 = arith.constant dense<2147483647> : vector<32xi32>
    %reduce_min3A_21 = vector.multi_reduction <minsi>, %select_n3A_19, %reduce_min3A_20 [1] : vector<32x32768xi32> to vector<32xi32>
    %broadcast_in_dim3A_22 = vector.shape_cast %reduce_min3A_21 : vector<32xi32> to vector<32x1xi32>
    %eq3A_23 = vector.broadcast %broadcast_in_dim3A_22 : vector<32x1xi32> to vector<32x32768xi32>
    %eq3A_24 = arith.cmpi eq, %iota3A, %eq3A_23 : vector<32x32768xi32>
    %jit3A_25 = arith.constant 0xFF800000 : f32
    %broadcast_in_dim3A_26 = vector.broadcast %jit3A_25 : f32 to vector<32x32768xf32>
    %select_n3A_27 = arith.select %eq3A_24, %broadcast_in_dim3A_26, %select_n3A_11 : vector<32x32768xi1>, vector<32x32768xf32>
    %reduce_max3A_28 = arith.constant dense<0xFF800000> : vector<32xf32>
    %reduce_max3A_29 = vector.multi_reduction <maximumf>, %select_n3A_27, %reduce_max3A_28 [1] : vector<32x32768xf32> to vector<32xf32>
    %broadcast_in_dim3A_30 = vector.shape_cast %reduce_max3A_29 : vector<32xf32> to vector<32x1xf32>
    %eq3A_31 = vector.broadcast %broadcast_in_dim3A_30 : vector<32x1xf32> to vector<32x32768xf32>
    %eq3A_32 = arith.cmpf oeq, %select_n3A_27, %eq3A_31 : vector<32x32768xf32>
    %jit3A_33 = arith.constant 2147483647 : i32
    %broadcast_in_dim3A_34 = vector.broadcast %jit3A_33 : i32 to vector<32x32768xi32>
    %select_n3A_35 = arith.select %eq3A_32, %iota3A, %broadcast_in_dim3A_34 : vector<32x32768xi1>, vector<32x32768xi32>
    %reduce_min3A_36 = arith.constant dense<2147483647> : vector<32xi32>
    %reduce_min3A_37 = vector.multi_reduction <minsi>, %select_n3A_35, %reduce_min3A_36 [1] : vector<32x32768xi32> to vector<32xi32>
    %broadcast_in_dim3A_38 = vector.shape_cast %reduce_min3A_37 : vector<32xi32> to vector<32x1xi32>
    %concatenate3A = tpu.concatenate %broadcast_in_dim3A, %broadcast_in_dim3A_14, %broadcast_in_dim3A_30 in 1 : vector<32x1xf32>, vector<32x1xf32>, vector<32x1xf32> -> vector<32x3xf32>
    %swap3A = arith.constant 0 : index
    %swap3A_39 = arith.constant 0 : index
    %swap3A_40 = vector.load %arg2[%swap3A, %swap3A_39] : memref<32x3xf32, #tpu.memory_space<vmem>>, vector<32x3xf32>
    tpu.vector_store %arg2[%swap3A, %swap3A_39], %concatenate3A {strides = array<i32>} : memref<32x3xf32, #tpu.memory_space<vmem>>, vector<32x3xf32>,
    %concatenate3A_41 = tpu.concatenate %broadcast_in_dim3A_6, %broadcast_in_dim3A_22, %broadcast_in_dim3A_38 in 1 : vector<32x1xi32>, vector<32x1xi32>, vector<32x1xi32> -> vector<32x3xi32>
    %swap3A_42 = arith.constant 0 : index
    %swap3A_43 = arith.constant 0 : index
    %swap3A_44 = vector.load %arg3[%swap3A_42, %swap3A_43] : memref<32x3xi32, #tpu.memory_space<vmem>>, vector<32x3xi32>
    tpu.vector_store %arg3[%swap3A_42, %swap3A_43], %concatenate3A_41 {strides = array<i32>} : memref<32x3xi32, #tpu.memory_space<vmem>>, vector<32x3xi32>,
    return
  }
  func.func @transform_0(%arg0: i32) -> (i32, i32) {
    %add3A = arith.constant 2 : i32
    %add3A_0 = arith.addi %arg0, %add3A : i32
    %c0_i32 = arith.constant 0 : i32
    %c0_i32_1 = arith.constant 0 : i32
    return %add3A_0, %c0_i32 : i32, i32
  }
  func.func @transform_1(%arg0: i32) -> (i32, i32) {
    %c0_i32 = arith.constant 0 : i32
    %c0_i32_0 = arith.constant 0 : i32
    return %arg0, %c0_i32 : i32, i32
  }
  func.func @transform_2(%arg0: i32) -> (i32, i32) {
    %c0_i32 = arith.constant 0 : i32
    %c0_i32_0 = arith.constant 0 : i32
    return %arg0, %c0_i32 : i32, i32
  }
}

</mosaic_0001>

<sc_bundles>
// kernel: kernel.4.cloned.1.call-start
scs
__scs_entry_jumppad:
0x0: {  	(pc) =	sbr.rel $0x88, $3  }
0x1: {  	(tag) =	ssettag $0x0;
	lr =	simm.s32 $0x1  }
0x2: {  	[smem:$0x3FA0] =	sst lr;
	_ =	strace $0xD0000000  }
0x3: {  	_ = 	snop  }
0x4: {  	_ = 	snop  }
0x5: {  	_ = 	snop  }
0x6: {  	_ = 	snop  }
0x7: {  	_ = 	snop  }
__scs_overlays_trampoline_lowered:
0x8: {  	[smem:$0x3FAF] =	sst s0  }
0x9: {  	[smem:$0x3FB0] =	sst s1  }
0xa: {  	[smem:$0x3FB1] =	sst s2  }
0xb: {  	[smem:$0x3FB2] =	sst s3  }
0xc: {  	[smem:$0x3FB3] =	sst s4  }
0xd: {  	[smem:$0x3FB4] =	sst s5  }
0xe: {  	[smem:$0x3FB5] =	sst s6  }
0xf: {  	[smem:$0x3FB6] =	sst s7  }
0x10: {  	[smem:$0x3FB7] =	sst s8  }
0x11: {  	[smem:$0x3FB8] =	sst s9;
	s0 =	simm.s32 @!p0 $0x0  }
0x12: {  	s1 =	sld [smem:$0x3F9E];
	s0 =	simm.s32 @p0 $0x1  }
0x13: {  	[smem:$0x3FB9] =	sst s0;
	s0 =	simm.s32 @!p1 $0x0  }
0x14: {  	s2 =	sld [smem:$0x3F9D];
	s0 =	simm.s32 @p1 $0x1  }
0x15: {  	[smem:$0x3FBA] =	sst s0;
	s0 =	simm.s32 @!p2 $0x0  }
0x16: {  	s3 =	sld [smem:$0x3FDB];
	s0 =	simm.s32 @p2 $0x1  }
0x17: {  	s4 =	simm.s32 $0x1BF5;
	[smem:$0x3FBC] =	sst s0  }
0x18: {  	s0 =	sld [smem:$0x3F9F];
	_ =	swait.ge [sflag:s4], $0x0  }
0x19: {  	s7 =	sld [smem:$0x3FA0]  }
0x1a: {  	s8 =	sadd.s32 $0xFFFFE003, lr  }
0x1b: {  	s9 =	sadd.s32 $0xFFFFFEF7, lr;
	s5 =	simm.s32 $0xFFFFFFFF;
	p2 =	slt.u32 s8, $0xFFFFF086  }
0x1c: {  	p1 =	slt.u32 s9, $0xF7A;
	s5 =	simm.s32 @!p2 $0x0  }
0x1d: {  	s5 =	simm.s32 @p1 $0x1;
	p0 =	seq.s32 s7, s2  }
0x1e: {  	s7 =	smul.u32 @!p0 $0xF7A, s2;
	p2 =	seq.s32 @!p0 s5, $0x0  }
0x1f: {  	s9 =	smul.u32 $0xF7A, s1;
	s8 =	simm.s32 @!p0 $0x1BF5;
	p2 =	por !p2, p0  }
0x20: {  	[sflag:s8] =	ssyncset.s32 @!p0 $0xFFFFF086;
	s6 =	sadd.s32 @!p0 s3, s7;
	s7 =	simm.s32 @!p0 $0x108  }
0x21: {  	s3 =	sadd.s32 s3, s9;
	s6 =	sadd.s32 @!p0 $0x88, s6;
	s7 =	simm.s32 @p2 $0x1082  }
0x22: {  	[simem:s7], [sflag:s8] =	dma.local @!p0 [hbm:s6], $0xF7A  }
0x23: {  	s9 =	sor.u32 $0xD0000000, s2;
	s6 =	simm.s32 $0x108;
	_ =	swait.ge @!p0 [sflag:s8], $0x0  }
0x24: {  	s3 =	sadd.s32 $0x88, s3;
	s6 =	simm.s32 @!p1 $0x1082;
	[sflag:s4] =	ssyncset.s32 $0xFFFFF086  }
0x25: {  	[simem:s6], [sflag:s4] =	dma.local [hbm:s3], $0xF7A  }
0x26: {  	[smem:$0x3FA0] =	sst s1;
	(tag) =	ssettag s2;
	_ =	strace s9  }
0x27: {  	s1 =	sld [smem:$0x3FB0]  }
0x28: {  	s2 =	sld [smem:$0x3FB1]  }
0x29: {  	s4 =	sld [smem:$0x3FB3]  }
0x2a: {  	p0 =	seq.s32 s5, $0x0;
	s5 =	sld [smem:$0x3FB4]  }
0x2b: {  	s6 =	sld [smem:$0x3FB5]  }
0x2c: {  	s7 =	sld [smem:$0x3FB6]  }
0x2d: {  	s3 =	simm.s32 $0x108;
	s8 =	sld [smem:$0x3FB7]  }
0x2e: {  	s3 =	simm.s32 @!p0 $0x1082;
	s9 =	sld [smem:$0x3FB8]  }
0x2f: {  	lr =	sadd.s32 s0, s3;
	s0 =	sld [smem:$0x3FAF]  }
0x30: {  	s3 =	sld [smem:$0x3FB2]  }
0x31: {  	[smem:$0x3FBB] =	sst s10  }
0x32: {  	s10 =	sld [smem:$0x3FB9];
	_ =	sdelay $0x3  }
0x33: {  	p0 =	seq.s32 s10, $0x1;
	s10 =	sld [smem:$0x3FBB];
	_ =	sdelay $0x3  }
0x34: {  	[smem:$0x3FBB] =	sst s10  }
0x35: {  	s10 =	sld [smem:$0x3FBA];
	_ =	sdelay $0x3  }
0x36: {  	p1 =	seq.s32 s10, $0x1;
	s10 =	sld [smem:$0x3FBB];
	_ =	sdelay $0x3  }
0x37: {  	[smem:$0x3FBB] =	sst s10  }
0x38: {  	s10 =	sld [smem:$0x3FBC]  }
0x39: {  	_ = 	snop;
	(pc) =	sbr.ind lr, $3  }
0x3a: {  	_ = 	snop  }
0x3b: {  	_ = 	snop  }
0x3c: {  	p2 =	seq.s32 s10, $0x1;
	s10 =	sld [smem:$0x3FBB]  }
0x3d: {  	_ =	shalt  }
0x3e: {  	_ =	shalt  }
0x3f: {  	_ =	shalt  }
0x40: {  	_ =	shalt  }
0x41: {  	_ =	shalt  }
0x42: {  	_ =	shalt  }
0x43: {  	_ =	shalt  }
0x44: {  	_ =	shalt  }
0x45: {  	_ =	shalt  }
0x46: {  	_ =	shalt  }
0x47: {  	_ =	shalt  }
0x48: {  	_ =	shalt  }
0x49: {  	_ =	shalt  }
0x4a: {  	_ =	shalt  }
0x4b: {  	_ =	shalt  }
0x4c: {  	_ =	shalt  }
0x4d: {  	_ =	shalt  }
0x4e: {  	_ =	shalt  }
0x4f: {  	_ =	shalt  }
0x50: {  	_ =	shalt  }
0x51: {  	_ =	shalt  }
0x52: {  	_ =	shalt  }
0x53: {  	_ =	shalt  }
0x54: {  	_ =	shalt  }
0x55: {  	_ =	shalt  }
0x56: {  	_ =	shalt  }
0x57: {  	_ =	shalt  }
0x58: {  	_ =	shalt  }
0x59: {  	_ =	shalt  }
0x5a: {  	_ =	shalt  }
0x5b: {  	_ =	shalt  }
0x5c: {  	_ =	shalt  }
0x5d: {  	_ =	shalt  }
0x5e: {  	_ =	shalt  }
0x5f: {  	_ =	shalt  }
0x60: {  	_ =	shalt  }
0x61: {  	_ =	shalt  }
0x62: {  	_ =	shalt  }
0x63: {  	_ =	shalt  }
0x64: {  	_ =	shalt  }
0x65: {  	_ =	shalt  }
0x66: {  	_ =	shalt  }
0x67: {  	_ =	shalt  }
0x68: {  	_ =	shalt  }
0x69: {  	_ =	shalt  }
0x6a: {  	_ =	shalt  }
0x6b: {  	_ =	shalt  }
0x6c: {  	_ =	shalt  }
0x6d: {  	_ =	shalt  }
0x6e: {  	_ =	shalt  }
0x6f: {  	_ =	shalt  }
0x70: {  	_ =	shalt  }
0x71: {  	_ =	shalt  }
0x72: {  	_ =	shalt  }
0x73: {  	_ =	shalt  }
0x74: {  	_ =	shalt  }
0x75: {  	_ =	shalt  }
0x76: {  	_ =	shalt  }
0x77: {  	_ =	shalt  }
0x78: {  	_ =	shalt  }
0x79: {  	_ =	shalt  }
0x7a: {  	_ =	shalt  }
0x7b: {  	_ =	shalt  }
0x7c: {  	_ =	shalt  }
0x7d: {  	_ =	shalt  }
0x7e: {  	_ =	shalt  }
0x7f: {  	_ =	shalt  }
0x80: {  	_ =	shalt  }
0x81: {  	_ =	shalt  }
0x82: {  	_ =	shalt  }
0x83: {  	_ =	shalt  }
0x84: {  	_ =	shalt  }
0x85: {  	_ =	shalt  }
0x86: {  	_ =	shalt  }
0x87: {  	_ =	shalt  }
.Lfunc_end0:
.L_simem_size_0:
called_computation_lowered:
.L_overlay_start_0:
0x88: {  	s2 =	sld [smem:$0x3FD9]  }
0x89: {  	s3 =	sld [smem:$0x3FFE];
	_ =	sdelay $0x1  }
0x8a: {  	s1 =	srdreg.scid  }
0x8b: {  	s0 =	sand.u32 $0x1, s1  }
0x8c: {  	s15 =	sshll.u32 s0, $0xA;
	s2 =	sadd.s32 s3, s2  }
0x8d: {  	s2 =	sadd.s32 s2, s15  }
0x8e: {  	[smem:$0x3FC7] =	sst s2  }
0x8f: {  	_ = 	snop  }
0x90: {  	s2 =	sld [smem:$0x3FD0];
	_ =	sdelay $0x2  }
0x91: {  	s4 =	simm.s32 $0xA;
	s5 =	simm.s32 $0x10;
	s16 =	sld [smem:$0x3FC9]  }
0x92: {  	[smem:s5], [sflag:s4] =	dma.local [hbm:s2], $0x1  }
0x93: {  	_ =	swait.eq [sflag:s4], $0x1  }
0x94: {  	[sflag:s4] =	ssyncset.done $0x0  }
0x95: {  	s17 =	sld [smem:$0x10];
	[sflag:s4] =	ssyncadd.s32 $0xFFFFFFFF  }
0x96: {  	s18 =	sld [smem:$0x11];
	(tm) =	ssettm $0x1  }
0x97: {  	s19 =	sld [smem:$0x3FFB];
	_ =	sdelay $0x3  }
0x98: {  	_ =	strace s19  }
0x99: {  	s5 =	sld [smem:$0x3FFC];
	_ =	sdelay $0x3  }
0x9a: {  	_ =	strace s5  }
0x9b: {  	s5 =	sld [smem:$0x3FFD];
	_ =	sdelay $0x3  }
0x9c: {  	_ =	strace s5  }
0x9d: {  	_ =	strace $0x8FFFFFFF  }
0x9e: {  	s20 =	sld [smem:$0x3FDB];
	_ =	sdelay $0x1  }
0x9f: {  	s6 =	simm.s32 $_scs_section_size  }
0xa0: {  	s7 =	simm.s32 $_size__tile_overlayer_lowered;
	s8 =	simm.s32 $_tile_overlayer_lowered  }
0xa1: {  	s23 =	simm.s32 $0x1BFF;
	s22 =	sshll.u32 s8, $0x1;
	s5 =	sadd.s32 s6, s20  }
0xa2: {  	s9 =	simm.s32 $0x0;
	s21 =	sshll.u32 s7, $0x1;
	s7 =	sadd.s32 s22, s5  }
0xa3: {  	[timem:s9], [sflag:s23] =	dma.local [hbm:s7], s21  }
0xa4: {  	_ =	swait.ge [sflag:s23], s21  }
0xa5: {  	s6 =	ssub.s32 $0x0, s21;
	[sflag:s23] =	ssyncset.done $0x0  }
0xa6: {  	[sflag:s23] =	ssyncadd.s32 s6;
	_ =	sdelay $0x1  }
0xa7: {  	s24 =	simm.s32 $0x1B8B  }
0xa8: {  	_ =	swait.ge [sflag:s24], $0x1  }
0xa9: {  	[sflag:s24] =	ssyncset.done $0x0  }
0xaa: {  	s25 =	simm.s32 $0x1B8E;
	[sflag:s24] =	ssyncadd.s32 $0xFFFFFFFF  }
0xab: {  	s26 =	simm.s32 $execute0_lowered;
	[smem:$0x3FD2] =	sst s25  }
0xac: {  	s6 =	sshll.u32 s26, $0x1;
	_ =	strace $0x80000046;
	[dreg:$0x1] =	wrdreg $0xFFFFFFFF  }
0xad: {  	s28 =	simm.s32 $_size_execute0_lowered;
	s5 =	sadd.s32 s5, s6;
	[dreg:$0x0] =	wrdreg $0x0  }
0xae: {  	s6 =	sshll.u32 s28, $0x1;
	[dreg:$0x2] =	wrdreg s5  }
0xaf: {  	[dreg:$0x3] =	wrdreg s6  }
0xb0: {  	[dreg:$0x4] =	wrdreg $0xC0  }
0xb1: {  	_ =	task [dreg:s9], $0x5FFFF  }
0xb2: {  	[dreg:$0x1] =	wrdreg $0xFFFFFFFF  }
0xb3: {  	[dreg:$0x0] =	wrdreg $0x60  }
0xb4: {  	[dreg:$0x2] =	wrdreg s16  }
0xb5: {  	[dreg:$0x3] =	wrdreg s18  }
0xb6: {  	[dreg:$0x4] =	wrdreg s17  }
0xb7: {  	[dreg:$0x5] =	wrdreg $0x9  }
0xb8: {  	_ =	task.clear_ibuf [dreg:s9], $0x6FFFF;
	_ =	strace $0x90000046  }
0xb9: {  	s29 =	simm.s32 $0x9;
	_ =	strace $0x80000048  }
0xba: {  	_ =	swait.ge [sflag:s29], $0x1  }
0xbb: {  	[sflag:s29] =	ssyncadd.s32 $0xFFFFFFFF  }
0xbc: {  	_ =	strace $0x90000048  }
0xbd: {  	_ =	sfence  }
0xbe: {  	s30 =	sld [smem:$0x0];
	_ =	sdelay $0x2  }
0xbf: {  	s31 =	sshll.u32 s1, $0xD;
	s1 =	sshrl.u32 s1, $0x2  }
0xc0: {  	s3 =	sand.u32 $0x4000, s31;
	s1 =	sadd.s32 s1, s30  }
0xc1: {  	s0 =	sor.u32 s3, s0;
	s1 =	sshll.u32 s1, $0x11  }
0xc2: {  	s0 =	sor.u32 s1, s0  }
0xc3: {  	s0 =	sadd.s32 $0x8F2B, s0  }
0xc4: {  	[sflag:s0] =	ssyncadd.remote.s32 $0x1  }
0xc5: {  	_ =	sfence.sel $0xFFFF  }
0xc6: {  	[dreg:$0x0] =	wrdreg $0xFFFFFFFF;
	(pc) =	sbr.abs _section_cstart, $3  }
0xc7: {  	[dreg:$0x1] =	wrdreg $0xFFFFFFFF  }
0xc8: {  	_ =	task.clear_ibuf [dreg:s9], $0x2FFFF;
	_ =	strace $0x9FFFFFFF  }
0xc9: {  	(tm) =	ssettm $0x7FFFFFFF  }
tec
execute0_lowered:
.L_overlay_start_1:
0x0: {  	(tag) =	ssettag $0x1  }
0x1: {  	s3 =	rddreg [dreg:$0x0]  }
0x2: {  	s5 =	rddreg [dreg:$0x1]  }
0x3: {  	s6 =	rddreg [dreg:$0x2]  }
0x4: {  	s0 =	rddreg [dreg:$0x3]  }
0x5: {  	s4 =	srdreg.scid;
	s1 =	stileid.u32;
	s2 =	simm.s32 $0x0  }
0x6: {  	s10 =	simm.s32 $0x1;
	s11 =	simm.s32 $0x10400;
	s12 =	simm.s32 $0x2  }
0x7: {  	s13 =	simm.s32 $0x10480;
	s14 =	simm.s32 $0x0;
	s4 =	sand.u32 $0x1, s4  }
0x8: {  	s7 =	sshll.u32 s1, $0x1;
	[smem:$0x7FF] =	sst s2;
	s8 =	sshll.u32 s1, $0xE  }
0x9: {  	s7 =	sor.u32 s4, s7;
	_ =	strace $0x80000047;
	s8 =	sand.u32 $0x38000, s8  }
.Ltmp0:
0xa: {  	s4 =	ssub.s32 $0x2, s4;
	s9 =	sshll.u32 s7, $0x5;
	(pc) =	sbr.rel .LBB2_1-.Ltmp0, $4  }
0xb: {  	v0 =	vlaneseq.u32;
	s3 =	sadd.s32 s3, s8;
	s31 =	sshrl.u32 s4, $0x1;
	s7 =	sshll.u32 s7, $0x1  }
0xc: {  	v2 =	vimm.f32 $0.0e+00;
	vm0 =	vcmask $0x3F0C;
	vm3 =	vcmask $0x1F0C;
	s9 =	sand.u32 $0x60, s9;
	s8 =	ssub.s32 s4, s31;
	s5 =	sadd.s32 s5, s7  }
0xd: {  	vm1 =	vcmask $0x300;
	vm4 =	vcmask $0x700;
	vm2 =	vcmask $0x704;
	s6 =	sadd.s32 s6, s7;
	s3 =	sadd.s32 s9, s3;
	s7 =	smax.u32 s8, $0x1  }
0xe: {  	v1 =	vor.u32 $0x80000000, v0;
	vm1 =	vmor vm1, vm3;
	vm3 =	vmor vm4, vm3;
	s8 =	simm.s32 $0x80;
	s9 =	simm.s32 $0x400;
	s4 =	sadd.s32 $0x10, s3  }
.LBB2_15:
0xf: {  	[hbm4b:s5+s2] =	stream.linear.scatter [tilespmem:s11], [sflag:$0x2], $0x10, $0x38;
	[tilespmem:$0x10500] =	vst v63  }
0x10: {  	s14 =	sadd.s32 $0x1, s14;
	_ =	swait.ge [sflag:s12], $0x10  }
0x11: {  	p0 =	sne.s32 s14, s7;
	[sflag:s12] =	ssyncset.done $0x0  }
.Ltmp1:
0x12: {  	[sflag:s12] =	ssyncadd.s32 $0xFFFFFFF0;
	(pc) =	sbr.rel @!p0 .LBB2_16-.Ltmp1, $4  }
0x13: {  	[hbm4b:s6+s2] =	stream.linear.scatter [tilespmem:s13], [sflag:$0x2], $0x10, $0x38;
	[tilespmem:$0x10500] =	vst v63  }
0x14: {  	_ =	swait.ge [sflag:s12], $0x10  }
0x15: {  	[sflag:s12] =	ssyncset.done $0x0  }
0x16: {  	[sflag:s12] =	ssyncadd.s32 $0xFFFFFFF0  }
.LBB2_1:
.Ltmp2:
0x17: {  	(pc) =	sbr.rel .LBB2_2-.Ltmp2, $3  }
0x18: {  	_ =	sdelay $0x1  }
0x19: {  	[tilespmem:s2], [sflag:$0x1] =	stream.strided.gather [hbm4b:s3+s8], $0x8000, s9, s8, $0x38;
	[tilespmem:$0x10500] =	vst v63  }
0x1a: {  	p1 =	por $0x1, $0x1;
	p2 =	por $0x0, $0x0;
	s15 =	simm.s32 $0x0  }
.LBB2_14:
0x1b: {  	vm4 =	veq.f32 v25, v27;
	vm5 =	vlt.s32 v21, v22  }
0x1c: {  	vm6 =	vgt.f32 v25, v27;
	vm4 =	vmand vm4, vm5  }
0x1d: {  	vm5 =	vmor vm6, vm4  }
0x1e: {  	v26 =	vsel vm5, v25, v27;
	v28 =	vsel vm5, v21, v22  }
0x1f: {  	vm4 =	veq.f32 v20, v26;
	vm9 =	vlt.s32 v18, v28  }
0x20: {  	vm7 =	vgt.f32 v20, v26;
	vm4 =	vmand vm4, vm9  }
0x21: {  	vm11 =	vmor vm7, vm4  }
0x22: {  	v29 =	vsel vm11, v20, v26;
	v30 =	vsel vm11, v18, v28  }
0x23: {  	vm4 =	veq.f32 v19, v29;
	vm10 =	vlt.s32 v14, v30  }
0x24: {  	vm12 =	vgt.f32 v19, v29;
	vm4 =	vmand vm4, vm10  }
0x25: {  	vm4 =	vmor vm12, vm4  }
0x26: {  	v31 =	vsel vm4, v19, v29;
	v32 =	vsel vm4, v14, v30  }
0x27: {  	vm13 =	veq.f32 v15, v31;
	vm14 =	vlt.s32 v13, v32  }
0x28: {  	vm8 =	vgt.f32 v15, v31;
	vm6 =	vmand vm13, vm14  }
0x29: {  	vm9 =	vmor vm8, vm6  }
0x2a: {  	v33 =	vsel vm9, v15, v31;
	v34 =	vsel vm9, v13, v32  }
0x2b: {  	vm15 =	veq.f32 v17, v33;
	vm12 =	vlt.s32 v24, v34  }
0x2c: {  	vm13 =	vgt.f32 v17, v33;
	vm6 =	vmand vm15, vm12  }
0x2d: {  	vm6 =	vmor vm13, vm6  }
0x2e: {  	v35 =	vsel vm6, v17, v33;
	v36 =	vsel vm6, v24, v34  }
0x2f: {  	vm14 =	veq.f32 v11, v35;
	vm15 =	vlt.s32 v8, v36  }
0x30: {  	vm10 =	vgt.f32 v11, v35;
	vm7 =	vmand vm14, vm15  }
0x31: {  	vm7 =	vmor vm10, vm7  }
0x32: {  	v37 =	vsel vm7, v11, v35;
	v38 =	vsel vm7, v8, v36  }
0x33: {  	vm8 =	veq.f32 v12, v37;
	vm10 =	vlt.s32 v10, v38  }
0x34: {  	vm12 =	vgt.f32 v12, v37;
	vm8 =	vmand vm8, vm10  }
0x35: {  	vm8 =	vmor vm12, vm8  }
0x36: {  	v39 =	vsel vm8, v12, v37;
	v40 =	vsel vm8, v10, v38  }
0x37: {  	v62 =	vsel vm5, v27, v25;
	vm10 =	veq.f32 v6, v39;
	vm12 =	vlt.s32 v16, v40  }
0x38: {  	v63 =	vsel vm5, v22, v21;
	vm5 =	vgt.f32 v6, v39;
	vm10 =	vmand vm10, vm12  }
0x39: {  	vm13 =	veq.f32 v62, v23;
	vm12 =	vgt.f32 v62, v23;
	vm10 =	vmor vm5, vm10  }
0x3a: {  	vm5 =	vlt.s32 v63, v9;
	v22 =	vsel vm10, v6, v39;
	v27 =	vsel vm10, v16, v40  }
0x3b: {  	vm5 =	vmand vm13, vm5;
	vm14 =	veq.f32 v4, v22;
	vm15 =	vlt.s32 v3, v27  }
0x3c: {  	vm13 =	vmor vm12, vm5;
	vm5 =	vgt.f32 v4, v22;
	vm12 =	vmand vm14, vm15  }
0x3d: {  	vm5 =	vmor vm5, vm12  }
0x3e: {  	v20 =	vsel vm11, v26, v20;
	v26 =	vsel vm5, v4, v22  }
0x3f: {  	(xrf0) =	vmax.scan.msk.f32 $0xffff, v26;
	_ =	sdelay $0x2  }
0x40: {  	v18 =	vsel vm11, v28, v18;
	v41 =	vsel vm13, v62, v23;
	v42 =	vsel vm13, v63, v9  }
0x41: {  	vm11 =	veq.f32 v20, v41;
	vm12 =	vlt.s32 v18, v42  }
0x42: {  	vm14 =	vgt.f32 v20, v41;
	vm11 =	vmand vm11, vm12  }
0x43: {  	v19 =	vsel vm4, v29, v19;
	v48 =	vsel vm4, v30, v14;
	vm11 =	vmor vm14, vm11;
	v49, _, _ =	vpop (xrf0)  }
0x44: {  	v28 =	vsel vm11, v20, v41;
	v43 =	vsel vm11, v18, v42;
	v14 =	vbroadcast v49, $0xF  }
0x45: {  	v44 =	vsel vm5, v3, v27;
	vm4 =	veq.f32 v19, v28;
	vm12 =	vlt.s32 v48, v43  }
0x46: {  	v52 =	vxor.u32 $0x80000000, v44;
	vm4 =	vmand vm4, vm12;
	vm12 =	veq.f32 v26, v14  }
0x47: {  	v51 =	vsel vm9, v31, v15;
	vm14 =	vgt.f32 v19, v28;
	v31 =	vnsel vm12, $0xFFFFFFFF, v52  }
0x48: {  	vm4 =	vmor vm14, vm4;
	(xrf0) =	vmin.scan.msk.u32 $0xffff, v31  }
0x49: {  	v53 =	vsel vm9, v32, v13;
	v50 =	vsel vm4, v19, v28;
	v54 =	vsel vm4, v48, v43  }
0x4a: {  	vm9 =	veq.f32 v51, v50;
	vm14 =	vlt.s32 v53, v54  }
0x4b: {  	vm15 =	vgt.f32 v51, v50;
	vm9 =	vmand vm9, vm14  }
0x4c: {  	v55 =	vsel vm6, v33, v17;
	vm9 =	vmor vm15, vm9  }
0x4d: {  	v24 =	vsel vm6, v34, v24;
	v33 =	vsel vm9, v53, v54;
	v31 =	vsel vm9, v51, v50  }
0x4e: {  	v11 =	vsel vm7, v35, v11;
	vm14 =	vlt.s32 v24, v33;
	vm6 =	veq.f32 v55, v31;
	v56, _, _ =	vpop (xrf0)  }
0x4f: {  	vm15 =	vgt.f32 v55, v31;
	vm6 =	vmand vm6, vm14;
	(v2sf) =	vpush v56, $0xF  }
0x50: {  	v8 =	vsel vm7, v36, v8;
	v12 =	vsel vm8, v37, v12;
	vm6 =	vmor vm15, vm6  }
0x51: {  	v10 =	vsel vm8, v38, v10;
	v34 =	vsel vm6, v55, v31;
	v35 =	vsel vm6, v24, v33  }
0x52: {  	v6 =	vsel vm10, v39, v6;
	vm7 =	veq.f32 v11, v34;
	vm14 =	vlt.s32 v8, v35  }
0x53: {  	v57 =	vsel vm13, v23, v62;
	vm7 =	vmand vm7, vm14;
	vm14 =	vgt.f32 v11, v34  }
0x54: {  	v58 =	vsel vm13, v9, v63;
	v62 =	vsel vm10, v40, v16;
	vm7 =	vmor vm14, vm7  }
0x55: {  	vm13 =	vgt.f32 v57, v7;
	v59 =	vsel vm7, v11, v34;
	v60 =	vsel vm7, v8, v35  }
0x56: {  	v3 =	vsel vm5, v27, v3;
	vm8 =	veq.f32 v12, v59;
	vm14 =	vlt.s32 v10, v60  }
0x57: {  	v40 =	vsel vm11, v41, v20;
	vm8 =	vmand vm8, vm14;
	vm14 =	vgt.f32 v12, v59  }
0x58: {  	v18 =	vsel vm11, v42, v18;
	vm15 =	veq.f32 v57, v7;
	vm8 =	vmor vm14, vm8  }
0x59: {  	vm14 =	vlt.s32 v58, v5;
	v61 =	vsel vm8, v12, v59;
	v63 =	vsel vm8, v10, v60  }
0x5a: {  	vm10 =	vmand vm15, vm14;
	vm14 =	veq.f32 v6, v61;
	vm15 =	vlt.s32 v62, v63  }
0x5b: {  	vm10 =	vmor vm13, vm10;
	vm13 =	vmand vm14, vm15;
	vm14 =	vgt.f32 v6, v61  }
0x5c: {  	v38 =	vsel vm10, v57, v7;
	v39 =	vsel vm10, v58, v5;
	vm10 =	vmor vm14, vm13  }
0x5d: {  	v42 =	vsel vm5, v22, v4;
	v41 =	vsel vm10, v6, v61;
	v45 =	vsel vm10, v62, v63  }
0x5e: {  	vm5 =	veq.f32 v40, v38;
	vm11 =	veq.f32 v42, v41;
	vm13 =	vlt.s32 v3, v45;
	s16 =	spop (v2sf)  }
0x5f: {  	vm14 =	vlt.s32 v18, v39;
	vm11 =	vmand vm11, vm13;
	vm13 =	vgt.f32 v42, v41;
	s16 =	sxor.u32 $0x80000000, s16  }
0x60: {  	vm14 =	vmand vm5, vm14;
	vm11 =	vmor vm13, vm11;
	vm5 =	veq.s32 v44, s16  }
0x61: {  	v46 =	vsel vm11, v42, v41;
	vm5 =	vmand vm12, vm5  }
0x62: {  	v26 =	vsel vm5, v46, v26  }
0x63: {  	vm12 =	vgt.f32 v40, v38;
	(xrf0) =	vmax.scan.msk.f32 $0xffff, v26  }
0x64: {  	v47 =	vsel vm4, v28, v19;
	vm12 =	vmor vm12, vm14  }
0x65: {  	v48 =	vsel vm4, v43, v48;
	v7 =	vsel vm12, v40, v38;
	v5 =	vsel vm12, v18, v39  }
0x66: {  	vm4 =	veq.f32 v47, v7;
	vm12 =	vlt.s32 v48, v5  }
0x67: {  	vm4 =	vmand vm4, vm12;
	vm12 =	vgt.f32 v47, v7  }
0x68: {  	v49 =	vsel vm9, v50, v51;
	v13 =	vsel vm9, v54, v53;
	vm4 =	vmor vm12, vm4  }
0x69: {  	v51 =	vsel vm11, v3, v45;
	v7 =	vsel vm4, v47, v7;
	v5 =	vsel vm4, v48, v5;
	v50, _, _ =	vpop (xrf0)  }
0x6a: {  	vm4 =	veq.f32 v49, v7;
	vm9 =	vlt.s32 v13, v5;
	v15 =	vbroadcast v50, $0xF  }
0x6b: {  	v52 =	vsel vm5, v51, v44;
	vm12 =	vgt.f32 v49, v7;
	vm4 =	vmand vm4, vm9  }
0x6c: {  	v53 =	vxor.u32 $0x80000000, v52;
	vm9 =	vmor vm12, vm4;
	vm4 =	veq.f32 v26, v15  }
0x6d: {  	v54 =	vnsel vm4, $0xFFFFFFFF, v53  }
0x6e: {  	(xrf0) =	vmin.scan.msk.u32 $0xffff, v54;
	_ =	sdelay $0x2  }
0x6f: {  	v55 =	vsel vm6, v31, v55  }
0x70: {  	v56 =	vsel vm6, v33, v24;
	v7 =	vsel vm9, v49, v7;
	v5 =	vsel vm9, v13, v5  }
0x71: {  	vm13 =	veq.f32 v55, v7;
	vm9 =	vlt.s32 v56, v5  }
0x72: {  	vm14 =	vgt.f32 v55, v7;
	vm6 =	vmand vm13, vm9;
	v58, _, _ =	vpop (xrf0)  }
0x73: {  	v8 =	vsel vm7, v35, v8;
	vm6 =	vmor vm14, vm6;
	(v2sf) =	vpush v58, $0xF  }
0x74: {  	v57 =	vsel vm7, v34, v11;
	v7 =	vsel vm6, v55, v7;
	v5 =	vsel vm6, v56, v5  }
0x75: {  	vm15 =	veq.f32 v57, v7;
	vm7 =	vlt.s32 v8, v5  }
0x76: {  	vm9 =	vgt.f32 v57, v7;
	vm6 =	vmand vm15, vm7  }
0x77: {  	v59 =	vsel vm8, v59, v12;
	vm6 =	vmor vm9, vm6  }
0x78: {  	v60 =	vsel vm8, v60, v10;
	v7 =	vsel vm6, v57, v7;
	v5 =	vsel vm6, v8, v5  }
0x79: {  	vm12 =	veq.f32 v59, v7;
	vm13 =	vlt.s32 v60, v5  }
0x7a: {  	vm14 =	vgt.f32 v59, v7;
	vm6 =	vmand vm12, vm13  }
0x7b: {  	v6 =	vsel vm10, v61, v6;
	vm6 =	vmor vm14, vm6  }
0x7c: {  	v61 =	vsel vm10, v63, v62;
	v7 =	vsel vm6, v59, v7;
	v5 =	vsel vm6, v60, v5  }
0x7d: {  	vm15 =	veq.f32 v6, v7;
	vm9 =	vlt.s32 v61, v5  }
0x7e: {  	vm10 =	vgt.f32 v6, v7;
	vm6 =	vmand vm15, vm9  }
0x7f: {  	v4 =	vsel vm11, v41, v42;
	vm6 =	vmor vm10, vm6  }
0x80: {  	v3 =	vsel vm11, v45, v3;
	v6 =	vsel vm6, v6, v7;
	v5 =	vsel vm6, v61, v5  }
0x81: {  	vm12 =	veq.f32 v4, v6;
	vm13 =	vlt.s32 v3, v5  }
0x82: {  	vm14 =	vgt.f32 v4, v6;
	vm6 =	vmand vm12, vm13;
	s17 =	spop (v2sf)  }
0x83: {  	vm6 =	vmor vm14, vm6;
	s17 =	sxor.u32 $0x80000000, s17  }
0x84: {  	v4 =	vsel vm6, v4, v6;
	vm15 =	veq.s32 v52, s17  }
0x85: {  	v4 =	vsel vm5, v4, v46;
	vm4 =	vmand vm4, vm15  }
0x86: {  	v4 =	vsel vm4, v4, v26  }
0x87: {  	(xrf0) =	vmax.scan.msk.f32 $0xffff, v4;
	_ =	sdelay $0x5  }
0x88: {  	v3 =	vsel vm6, v3, v5;
	v62, _, _ =	vpop (xrf0)  }
0x89: {  	v3 =	vsel vm5, v3, v51;
	v5 =	vbroadcast v62, $0xF  }
0x8a: {  	v3 =	vsel vm4, v3, v52  }
0x8b: {  	v3 =	vxor.u32 $0x80000000, v3;
	vm4 =	veq.f32 v4, v5  }
0x8c: {  	v3 =	vnsel vm4, $0xFFFFFFFF, v3  }
0x8d: {  	(xrf0) =	vmin.scan.msk.u32 $0xffff, v3;
	_ =	sdelay $0x5  }
0x8e: {  	v3, _, _ =	vpop (xrf0)  }
0x8f: {  	(v2sf) =	vpush v3, $0xF;
	_ =	sdelay $0xc  }
0x90: {  	vm4 =	vmmov $0x1  }
.Ltmp3:
0x91: {  	v63 =	vmov s16;
	v3 =	vnsel vm4, $0xFF800000, v14;
	(pc) =	sbr.rel @!p0 .LBB2_15-.Ltmp3, $4  }
0x92: {  	v4 =	vsel vm0, $0x0, v63;
	v3 =	vsel vm1, v3, v15;
	s31 =	spop (v2sf)  }
0x93: {  	s15 =	sshll.u32 s15, $0x3;
	v4 =	vsel vm2, s17, v4;
	vm4 =	veq.s32 v0, $0x2;
	v3 =	vsel vm3, v3, v5;
	s16 =	sxor.u32 $0x80000000, s31  }
0x94: {  	[tilespmem:s15+$0x10400] =	vst.msk $0xff, v3;
	v4 =	vsel vm4, s16, v4  }
0x95: {  	p1 =	por $0x0, $0x0;
	p2 =	por $0x1, $0x1;
	[tilespmem:s15+$0x10480] =	vst.msk $0xff, v4;
	s15 =	simm.s32 $0x1  }
.LBB2_2:
0x96: {  	_ =	swait.ge [sflag:s10], $0x8000;
	s16 =	sshll.u32 s15, $0xF  }
0x97: {  	s18 =	simm.s32 @!p2 $0x80;
	s19 =	simm.s32 @!p2 $0x400;
	[sflag:s10] =	ssyncset.done $0x0  }
0x98: {  	s17 =	ssub.s32 @!p2 $0x8000, s16;
	s31 =	sand.u32 $0x3FFF8000, s16;
	[sflag:s10] =	ssyncadd.s32 $0xFFFF8000  }
0x99: {  	[tilespmem:s17], [sflag:$0x1] =	stream.strided.gather @!p2 [hbm4b:s4+s18], $0x8000, s19, s18, $0x38;
	[tilespmem:$0x10500] =	vst v63  }
0x9a: {  	s18 =	sor.u32 $0x100, s31  }
0x9b: {  	v3 =	vld [tilespmem:s18+$0xFFFFFF10]  }
0x9c: {  	v25 =	vld [tilespmem:s18+$0xFFFFFF00]  }
0x9d: {  	v26 =	vld [tilespmem:s18+$0xFFFFFF20]  }
0x9e: {  	v27 =	vld [tilespmem:s18+$0xFFFFFF30]  }
0x9f: {  	v28 =	vld [tilespmem:s18+$0xFFFFFF40]  }
0xa0: {  	v29 =	vld [tilespmem:s18+$0xFFFFFF50]  }
0xa1: {  	v30 =	vld [tilespmem:s18+$0xFFFFFF60]  }
0xa2: {  	v31 =	vld [tilespmem:s18+$0xFFFFFF70]  }
0xa3: {  	v4 =	vld [tilespmem:s18+$0xFFFFFF80]  }
0xa4: {  	v5 =	vld [tilespmem:s18+$0xFFFFFF90]  }
0xa5: {  	v6 =	vld [tilespmem:s18+$0xFFFFFFA0]  }
0xa6: {  	v7 =	vld [tilespmem:s18+$0xFFFFFFB0]  }
0xa7: {  	v8 =	vld [tilespmem:s18+$0xFFFFFFC0]  }
0xa8: {  	v9 =	vld [tilespmem:s18+$0xFFFFFFD0]  }
0xa9: {  	v10 =	vld [tilespmem:s18+$0xFFFFFFE0]  }
0xaa: {  	v11 =	vld [tilespmem:s18+$0xFFFFFFF0]  }
0xab: {  	v12 =	vld [tilespmem:s18+$0x0]  }
0xac: {  	v14 =	vld [tilespmem:s18+$0x10]  }
0xad: {  	v16 =	vld [tilespmem:s18+$0x20]  }
0xae: {  	v18 =	vld [tilespmem:s18+$0x30]  }
0xaf: {  	v13 =	vld [tilespmem:s18+$0x40]  }
0xb0: {  	v15 =	vld [tilespmem:s18+$0x50]  }
0xb1: {  	v17 =	vld [tilespmem:s18+$0x60]  }
0xb2: {  	v19 =	vld [tilespmem:s18+$0x70]  }
0xb3: {  	v20 =	vld [tilespmem:s18+$0x80]  }
0xb4: {  	v21 =	vld [tilespmem:s18+$0x90]  }
0xb5: {  	v22 =	vld [tilespmem:s18+$0xA0]  }
0xb6: {  	v23 =	vld [tilespmem:s18+$0xB0]  }
0xb7: {  	v24 =	vld [tilespmem:s18+$0xC0];
	v3 =	vmax.f32 v25, v3  }
0xb8: {  	v25 =	vld [tilespmem:s18+$0xD0];
	v26 =	vmax.f32 v26, v27;
	v28 =	vmax.f32 v28, v29;
	v29 =	vmax.f32 v30, v31  }
0xb9: {  	v27 =	vld [tilespmem:s18+$0xE0];
	v26 =	vmax.f32 v3, v26;
	v29 =	vmax.f32 v28, v29  }
0xba: {  	p0 =	por p1, p1;
	s17 =	simm.s32 $0x0;
	s19 =	simm.s32 $0x40;
	v3 =	vimm.f32 $-Inf;
	v28 =	vld [tilespmem:s18+$0xF0];
	v26 =	vmax.f32 v26, v29  }
.LBB2_3:
0xbb: {  	p1 =	sne.s32 s19, $0xFC0;
	v4 =	vmax.f32 v4, v5;
	v5 =	vmax.f32 v6, v7;
	v6 =	vmax.f32 v8, v9  }
0xbc: {  	v7 =	vmax.f32 v10, v11;
	v8 =	vmax.f32 v12, v14;
	v9 =	vmax.f32 v16, v18  }
0xbd: {  	v4 =	vmax.f32 v4, v5;
	v5 =	vmax.f32 v6, v7;
	v6 =	vmax.f32 v8, v9  }
0xbe: {  	v7 =	vmax.f32 v13, v15;
	v8 =	vmax.f32 v17, v19;
	v9 =	vmax.f32 v20, v21  }
0xbf: {  	v10 =	vmax.f32 v22, v23;
	v11 =	vmax.f32 v24, v25;
	v12 =	vmax.f32 v27, v28  }
0xc0: {  	v7 =	vmax.f32 v7, v8;
	v8 =	vmax.f32 v9, v10;
	v9 =	vmax.f32 v11, v12  }
0xc1: {  	v4 =	vmax.f32 v4, v5;
	v5 =	vmax.f32 v6, v7;
	v6 =	vmax.f32 v8, v9  }
0xc2: {  	v4 =	vmax.f32 v26, v4;
	v5 =	vmax.f32 v5, v6  }
0xc3: {  	s20 =	sshra.s32 s17, $0x2;
	s17 =	smov.u32 s19;
	v4 =	vmax.f32 v4, v5  }
0xc4: {  	s18 =	sadd.s32 $0x200, s18;
	[tilespmem:s20+$0x10000] =	vst v4;
	v3 =	vmax.f32 v3, v4  }
0xc5: {  	v25 =	vld [tilespmem:s18+$0xFFFFFF10]  }
0xc6: {  	v26 =	vld [tilespmem:s18+$0xFFFFFF00]  }
0xc7: {  	v27 =	vld [tilespmem:s18+$0xFFFFFF20]  }
0xc8: {  	v28 =	vld [tilespmem:s18+$0xFFFFFF30]  }
0xc9: {  	v29 =	vld [tilespmem:s18+$0xFFFFFF40]  }
0xca: {  	v30 =	vld [tilespmem:s18+$0xFFFFFF50]  }
0xcb: {  	v31 =	vld [tilespmem:s18+$0xFFFFFF60]  }
0xcc: {  	v32 =	vld [tilespmem:s18+$0xFFFFFF70]  }
0xcd: {  	v4 =	vld [tilespmem:s18+$0xFFFFFF80]  }
0xce: {  	v5 =	vld [tilespmem:s18+$0xFFFFFF90]  }
0xcf: {  	v6 =	vld [tilespmem:s18+$0xFFFFFFA0]  }
0xd0: {  	v7 =	vld [tilespmem:s18+$0xFFFFFFB0]  }
0xd1: {  	v8 =	vld [tilespmem:s18+$0xFFFFFFC0]  }
0xd2: {  	v9 =	vld [tilespmem:s18+$0xFFFFFFD0]  }
0xd3: {  	v10 =	vld [tilespmem:s18+$0xFFFFFFE0]  }
0xd4: {  	v11 =	vld [tilespmem:s18+$0xFFFFFFF0]  }
0xd5: {  	v12 =	vld [tilespmem:s18+$0x0]  }
0xd6: {  	v14 =	vld [tilespmem:s18+$0x10]  }
0xd7: {  	v16 =	vld [tilespmem:s18+$0x20]  }
0xd8: {  	v18 =	vld [tilespmem:s18+$0x30]  }
0xd9: {  	v13 =	vld [tilespmem:s18+$0x40]  }
0xda: {  	v15 =	vld [tilespmem:s18+$0x50]  }
0xdb: {  	v17 =	vld [tilespmem:s18+$0x60]  }
0xdc: {  	v19 =	vld [tilespmem:s18+$0x70]  }
0xdd: {  	v20 =	vld [tilespmem:s18+$0x80]  }
0xde: {  	v21 =	vld [tilespmem:s18+$0x90]  }
0xdf: {  	v22 =	vld [tilespmem:s18+$0xA0]  }
.Ltmp4:
0xe0: {  	v23 =	vld [tilespmem:s18+$0xB0];
	(pc) =	sbr.rel @p1 .LBB2_3-.Ltmp4, $4  }
0xe1: {  	v26 =	vmax.f32 v26, v25;
	v24 =	vld [tilespmem:s18+$0xC0]  }
0xe2: {  	v28 =	vmax.f32 v27, v28;
	v29 =	vmax.f32 v29, v30;
	v30 =	vmax.f32 v31, v32;
	v25 =	vld [tilespmem:s18+$0xD0]  }
0xe3: {  	v26 =	vmax.f32 v26, v28;
	v29 =	vmax.f32 v29, v30;
	v27 =	vld [tilespmem:s18+$0xE0]  }
0xe4: {  	s19 =	sadd.s32 $0x40, s19;
	v26 =	vmax.f32 v26, v29;
	v28 =	vld [tilespmem:s18+$0xF0]  }
0xe5: {  	v4 =	vmax.f32 v4, v5;
	v5 =	vmax.f32 v6, v7;
	v6 =	vmax.f32 v8, v9  }
0xe6: {  	v7 =	vmax.f32 v10, v11;
	v8 =	vmax.f32 v12, v14;
	v9 =	vmax.f32 v16, v18  }
0xe7: {  	v10 =	vmax.f32 v22, v23;
	v4 =	vmax.f32 v4, v5;
	v5 =	vmax.f32 v6, v7  }
0xe8: {  	v6 =	vmax.f32 v8, v9;
	v7 =	vmax.f32 v13, v15;
	v8 =	vmax.f32 v17, v19  }
0xe9: {  	v9 =	vmax.f32 v20, v21;
	v11 =	vmax.f32 v24, v25;
	v12 =	vmax.f32 v27, v28  }
0xea: {  	v7 =	vmax.f32 v7, v8;
	v8 =	vmax.f32 v9, v10;
	v9 =	vmax.f32 v11, v12  }
0xeb: {  	v4 =	vmax.f32 v4, v5;
	v5 =	vmax.f32 v6, v7;
	v6 =	vmax.f32 v8, v9  }
0xec: {  	v4 =	vmax.f32 v26, v4;
	v5 =	vmax.f32 v5, v6  }
0xed: {  	v7 =	vmax.f32 v4, v5  }
0xee: {  	v3 =	vmax.f32 v3, v7  }
0xef: {  	(xrf0) =	vmax.scan.msk.f32 $0xffff, v3;
	_ =	sdelay $0x5  }
0xf0: {  	v4, _, _ =	vpop (xrf0)  }
0xf1: {  	v4 =	vbroadcast v4, $0xF;
	_ =	sdelay $0x1  }
0xf2: {  	vm4 =	veq.f32 v3, v4  }
0xf3: {  	v4 =	vnsel vm4, $0x80000010, v1  }
0xf4: {  	(xrf0) =	vmin.scan.msk.u32 $0xffff, v4;
	_ =	sdelay $0x5  }
0xf5: {  	v4, _, _ =	vpop (xrf0)  }
0xf6: {  	(v2sf) =	vpush v4, $0xF;
	_ =	sdelay $0xe  }
0xf7: {  	s18 =	spop (v2sf)  }
0xf8: {  	s18 =	sxor.u32 $0x80000000, s18  }
0xf9: {  	v4 =	vmov s18  }
0xfa: {  	vm4 =	veq.s32 v4, v0  }
0xfb: {  	v3 =	vsel vm4, $0xFF800000, v3  }
0xfc: {  	(xrf0) =	vmax.scan.msk.f32 $0xffff, v3;
	_ =	sdelay $0x5  }
0xfd: {  	v4, _, _ =	vpop (xrf0)  }
0xfe: {  	v4 =	vbroadcast v4, $0xF;
	_ =	sdelay $0x1  }
0xff: {  	vm4 =	veq.f32 v3, v4  }
0x100: {  	v4 =	vnsel vm4, $0x80000010, v1  }
0x101: {  	(xrf0) =	vmin.scan.msk.u32 $0xffff, v4;
	_ =	sdelay $0x5  }
0x102: {  	v4, _, _ =	vpop (xrf0)  }
0x103: {  	(v2sf) =	vpush v4, $0xF;
	_ =	sdelay $0xe  }
0x104: {  	s31 =	spop (v2sf)  }
0x105: {  	s18 =	sxor.u32 $0x80000000, s31  }
0x106: {  	v4 =	vmov s18  }
0x107: {  	vm4 =	veq.s32 v4, v0  }
0x108: {  	v3 =	vsel vm4, $0xFF800000, v3  }
0x109: {  	(xrf0) =	vmax.scan.msk.f32 $0xffff, v3  }
0x10a: {  	v16 =	vimm.s32 $0x7FFFFFFF;
	v14 =	vimm.s32 $0x7FFFFFFF  }
0x10b: {  	v18 =	vimm.s32 $0x7FFFFFFF;
	v22 =	vimm.s32 $0x7FFFFFFF;
	v23 =	vimm.f32 $-Inf  }
0x10c: {  	v13 =	vimm.s32 $0x7FFFFFFF;
	v21 =	vimm.s32 $0x7FFFFFFF;
	v17 =	vimm.f32 $-Inf  }
0x10d: {  	v15 =	vimm.f32 $-Inf;
	v19 =	vimm.f32 $-Inf;
	v20 =	vimm.f32 $-Inf  }
.Ltmp5:
0x10e: {  	v10 =	vimm.s32 $0x7FFFFFFF;
	v24 =	vimm.s32 $0x7FFFFFFF;
	v25 =	vimm.f32 $-Inf;
	(pc) =	sbr.rel .LBB2_5-.Ltmp5, $4  }
0x10f: {  	v27 =	vimm.f32 $-Inf;
	v12 =	vimm.f32 $-Inf;
	v11 =	vimm.f32 $-Inf;
	v3, _, _ =	vpop (xrf0)  }
0x110: {  	s17 =	sshra.s32 s17, $0x2;
	v8 =	vimm.s32 $0x7FFFFFFF;
	v9 =	vimm.s32 $0x7FFFFFFF;
	v3 =	vadd.f32 $0.0e+00, v3  }
0x111: {  	v6 =	vimm.f32 $-Inf;
	v5 =	vimm.s32 $0x7FFFFFFF;
	[tilespmem:s17+$0x10000] =	vst v7;
	v7 =	vimm.f32 $-Inf  }
0x112: {  	s19 =	simm.s32 $0x0;
	s17 =	simm.s32 $0x4;
	s18 =	simm.s32 $0x0;
	v4 =	vimm.f32 $-Inf;
	v26 =	vbroadcast v3, $0xF;
	v3 =	vimm.s32 $0x7FFFFFFF  }
.LBB2_13:
0x113: {  	s19 =	sadd.s32 $0x1, s19  }
0x114: {  	p1 =	sne.s32 s19, $0x10  }
.Ltmp6:
0x115: {  	_ = 	snop;
	(pc) =	sbr.rel @!p1 .LBB2_14-.Ltmp6, $2  }
0x116: {  	_ =	sdelay $0x2  }
0x117: {  	s17 =	sadd.s32 $0x4, s17;
	s16 =	sadd.s32 $0x800, s16;
	s18 =	sadd.s32 $0x800, s18  }
.LBB2_5:
0x118: {  	s20 =	sshll.u32 s19, $0x6  }
0x119: {  	s20 =	sand.u32 $0x3FFFFFC0, s20  }
0x11a: {  	v28 =	vld [tilespmem:s20+$0x10000]  }
0x11b: {  	v29 =	vld [tilespmem:s20+$0x10010]  }
0x11c: {  	v30 =	vld [tilespmem:s20+$0x10020]  }
0x11d: {  	v31 =	vld [tilespmem:s20+$0x10030];
	_ =	sdelay $0x4  }
0x11e: {  	v28 =	vmax.f32 v28, v29;
	v29 =	vmax.f32 v30, v31  }
0x11f: {  	v28 =	vmax.f32 v28, v29  }
0x120: {  	vm4 =	vge.f32 v28, v26  }
0x121: {  	v28 =	vsel vm4, $0x3F800000, v2  }
0x122: {  	(xrf0) =	vmax.scan.msk.f32 $0xffff, v28;
	_ =	sdelay $0x5  }
0x123: {  	v28, _, _ =	vpop (xrf0)  }
0x124: {  	(v2sf) =	vpush v28, $0xF;
	_ =	sdelay $0xe  }
0x125: {  	s31 =	spop (v2sf)  }
0x126: {  	p1 =	sgt.f32 s31, $0.0e+00  }
.Ltmp7:
0x127: {  	_ = 	snop;
	(pc) =	sbr.rel @!p1 .LBB2_13-.Ltmp7, $1  }
0x128: {  	_ =	sdelay $0x3  }
.Ltmp8:
0x129: {  	(pc) =	sbr.rel .LBB2_7-.Ltmp8, $2  }
0x12a: {  	_ =	sdelay $0x2  }
0x12b: {  	s20 =	sshll.u32 s19, $0x2;
	s21 =	smov.u32 s18;
	s22 =	smov.u32 s16;
	v29 =	vmov v16;
	v28 =	vmov v24;
	v30 =	vmov v23  }
.LBB2_8:
0x12c: {  	v23 =	vmov v30;
	v24 =	vmov v28;
	v16 =	vmov v29  }
.LBB2_12:
0x12d: {  	s20 =	sadd.s32 $0x1, s20  }
0x12e: {  	p1 =	sne.s32 s20, s17  }
.Ltmp9:
0x12f: {  	_ = 	snop;
	(pc) =	sbr.rel @!p1 .LBB2_13-.Ltmp9, $2  }
0x130: {  	_ =	sdelay $0x2  }
0x131: {  	s22 =	sadd.s32 $0x200, s22;
	s21 =	sadd.s32 $0x200, s21  }
.LBB2_7:
0x132: {  	s23 =	sshll.u32 s20, $0x6  }
0x133: {  	s23 =	sshra.s32 s23, $0x2  }
0x134: {  	v16 =	vld [tilespmem:s23+$0x10000];
	_ =	sdelay $0x4  }
0x135: {  	vm4 =	vge.f32 v16, v26  }
0x136: {  	v16 =	vsel vm4, $0x3F800000, v2  }
0x137: {  	(xrf0) =	vmax.scan.msk.f32 $0xffff, v16;
	_ =	sdelay $0x5  }
0x138: {  	v16, _, _ =	vpop (xrf0)  }
0x139: {  	(v2sf) =	vpush v16, $0xF;
	_ =	sdelay $0xe  }
0x13a: {  	s31 =	spop (v2sf)  }
0x13b: {  	p1 =	sgt.f32 s31, $0.0e+00  }
.Ltmp10:
0x13c: {  	_ = 	snop;
	(pc) =	sbr.rel @!p1 .LBB2_8-.Ltmp10, $2  }
0x13d: {  	_ =	sdelay $0x2  }
0x13e: {  	s23 =	simm.s32 $0x0  }
0x13f: {  	s24 =	sadd.s32 $0x0, s22  }
0x140: {  	s23 =	sand.u32 $0x40, s23;
	s24 =	sand.u32 $0xFFFFFF80, s24  }
0x141: {  	s23 =	sor.u32 s23, s24  }
0x142: {  	v16 =	vld [tilespmem:s23+$0x20]  }
0x143: {  	v23 =	vld [tilespmem:s23+$0x30];
	_ =	sdelay $0x1  }
0x144: {  	v24 =	vld [tilespmem:s23+$0x0]  }
0x145: {  	s31 =	sadd.s32 $0x0, s21;
	v31 =	vor.u32 $0x10, v0;
	v32 =	vor.u32 $0x20, v0;
	v37 =	vld [tilespmem:s23+$0x10]  }
0x146: {  	v34 =	vor.u32 $0x30, v0;
	v35 =	vor.u32 s31, v0;
	v36 =	vor.u32 s31, v31  }
0x147: {  	vm11 =	vgt.f32 v16, v15;
	v38 =	vmin.f32 v16, v15;
	v45 =	vmax.f32 v23, v12  }
0x148: {  	v15 =	vmax.f32 v16, v15;
	vm9 =	vgt.f32 v23, v12;
	v33 =	vmin.f32 v23, v12  }
0x149: {  	v47 =	vmax.f32 v24, v27;
	vm5 =	vgt.f32 v24, v27;
	v41 =	vmin.f32 v24, v27  }
0x14a: {  	v48 =	vmax.f32 v37, v25;
	v16 =	vor.u32 s31, v32;
	v23 =	vor.u32 s31, v34  }
0x14b: {  	vm10 =	vgt.f32 v37, v25;
	v46 =	vmax.f32 v38, v17;
	v12 =	vmin.f32 v38, v17  }
0x14c: {  	vm6 =	vgt.f32 v33, v6;
	v42 =	vmin.f32 v33, v6;
	vm8 =	vgt.f32 v38, v17  }
0x14d: {  	v49 =	vsel vm11, v16, v13;
	v38 =	vmin.f32 v37, v25;
	v50 =	vsel vm9, v23, v10  }
0x14e: {  	v44 =	vsel vm9, v10, v23;
	v23 =	vmax.f32 v41, v30;
	v43 =	vsel vm11, v13, v16  }
0x14f: {  	vm4 =	vgt.f32 v12, v11;
	v11 =	vmax.f32 v12, v11;
	v12 =	vmin.f32 v41, v30  }
0x150: {  	v40 =	vsel vm10, v21, v36;
	v27 =	vmovc v47;
	v25 =	vmovc v48;
	v37 =	vmov v20;
	vm7 =	vgt.f32 v42, v4  }
0x151: {  	v39 =	vmin.f32 v38, v20;
	v24 =	vsel vm8, v43, v28;
	v16 =	vsel vm6, v44, v29;
	v17 =	vmovc v46  }
0x152: {  	s23 =	simm.s32 $0x40;
	v13 =	vmovc v49;
	v10 =	vmovc v50;
	vm9 =	vgt.f32 v12, v7;
	v7 =	vmax.f32 v12, v7;
	v12 =	vmov v45  }
.LBB2_10:
0x153: {  	s24 =	sadd.s32 s23, s22;
	vm11 =	vgt.f32 v41, v30;
	v20 =	vmax.f32 v38, v20;
	v4 =	vmax.f32 v42, v4;
	v41 =	vmovc v12  }
0x154: {  	p1 =	sne.s32 s23, $0x1C0;
	v45 =	vmovc v17;
	v42 =	vmovc v27;
	v46 =	vmov v25;
	v47 =	vmov v13;
	v30 =	vmov v23;
	s25 =	smov.u32 s23;
	s23 =	sadd.s32 $0x40, s23  }
0x155: {  	v48 =	vsel vm5, v22, v35;
	v21 =	vsel vm10, v36, v21;
	v36 =	vsel vm6, v29, v44;
	v29 =	vmovc v16;
	s24 =	sand.u32 $0xFFFFFF80, s24;
	s26 =	sand.u32 $0x40, s25  }
0x156: {  	vm6 =	vgt.f32 v39, v19;
	v43 =	vsel vm8, v28, v43;
	v28 =	vmovc v24;
	v44 =	vsel vm11, v9, v48;
	s24 =	sor.u32 s26, s24  }
0x157: {  	v22 =	vsel vm5, v35, v22;
	vm5 =	vgt.f32 v38, v37;
	v9 =	vsel vm11, v48, v9;
	v37 =	vmovc v20;
	v49 =	vld [tilespmem:s24+$0x30]  }
0x158: {  	v35 =	vsel vm5, v18, v40;
	v3 =	vsel vm7, v36, v3;
	v5 =	vsel vm9, v44, v5;
	v38 =	vld [tilespmem:s24+$0x20]  }
0x159: {  	v19 =	vmax.f32 v39, v19;
	v18 =	vsel vm5, v40, v18;
	v14 =	vsel vm6, v35, v14;
	v44 =	vld [tilespmem:s24+$0x0]  }
0x15a: {  	v6 =	vmax.f32 v33, v6;
	s25 =	sadd.s32 s25, s21;
	v8 =	vsel vm4, v43, v8;
	v39 =	vld [tilespmem:s24+$0x10]  }
0x15b: {  	v35 =	vor.u32 s25, v0;
	v36 =	vor.u32 s25, v31  }
0x15c: {  	v12 =	vmax.f32 v49, v12  }
0x15d: {  	vm9 =	vgt.f32 v38, v15;
	v40 =	vmin.f32 v38, v15;
	v15 =	vmax.f32 v38, v15  }
0x15e: {  	vm11 =	vgt.f32 v49, v41;
	v33 =	vmin.f32 v49, v41;
	v17 =	vmax.f32 v40, v17  }
0x15f: {  	vm6 =	vgt.f32 v33, v6;
	v27 =	vmax.f32 v44, v27;
	v38 =	vmin.f32 v40, v45  }
0x160: {  	vm5 =	vgt.f32 v44, v42;
	v41 =	vmin.f32 v44, v42;
	v25 =	vmax.f32 v39, v25  }
0x161: {  	v43 =	vor.u32 s25, v32;
	v48 =	vor.u32 s25, v34;
	v42 =	vmin.f32 v33, v6  }
0x162: {  	vm8 =	vgt.f32 v40, v45;
	vm4 =	vgt.f32 v38, v11;
	v11 =	vmax.f32 v38, v11  }
.Ltmp11:
0x163: {  	v13 =	vsel vm9, v43, v13;
	vm10 =	vgt.f32 v39, v46;
	vm7 =	vgt.f32 v42, v4;
	(pc) =	sbr.rel @p1 .LBB2_10-.Ltmp11, $4  }
0x164: {  	v44 =	vsel vm11, v10, v48;
	v10 =	vsel vm11, v48, v10;
	v38 =	vmin.f32 v39, v46  }
0x165: {  	v43 =	vsel vm9, v47, v43;
	v39 =	vmin.f32 v41, v30;
	v23 =	vmax.f32 v41, v23  }
0x166: {  	vm9 =	vgt.f32 v39, v7;
	v7 =	vmax.f32 v39, v7;
	v39 =	vmin.f32 v38, v20  }
0x167: {  	v24 =	vsel vm8, v43, v24;
	v16 =	vsel vm6, v44, v16;
	v40 =	vsel vm10, v21, v36  }
0x168: {  	vm11 =	vgt.f32 v41, v30;
	v20 =	vmax.f32 v38, v20;
	v4 =	vmax.f32 v42, v4  }
0x169: {  	v30 =	vsel vm5, v22, v35;
	v21 =	vsel vm10, v36, v21;
	v29 =	vsel vm6, v29, v44  }
.Ltmp12:
0x16a: {  	v28 =	vsel vm8, v28, v43;
	v22 =	vsel vm5, v35, v22;
	vm5 =	vgt.f32 v38, v37;
	(pc) =	sbr.rel .LBB2_12-.Ltmp12, $4  }
0x16b: {  	v31 =	vsel vm11, v9, v30;
	v9 =	vsel vm11, v30, v9;
	v30 =	vsel vm5, v18, v40  }
0x16c: {  	vm15 =	vgt.f32 v39, v19;
	v19 =	vmax.f32 v39, v19;
	v6 =	vmax.f32 v33, v6  }
0x16d: {  	v3 =	vsel vm7, v29, v3;
	v18 =	vsel vm5, v40, v18;
	v8 =	vsel vm4, v28, v8  }
0x16e: {  	v5 =	vsel vm9, v31, v5;
	v14 =	vsel vm15, v30, v14;
	v29 =	vmovc v16;
	v28 =	vmovc v24;
	v30 =	vmov v23  }
.LBB2_16:
0x16f: {  	_ =	sfence.sel $0x180000  }
0x170: {  	[bflag:$0x0] =	sbarrier.arrive $0xFFFF  }
0x171: {  	p0 =	sne.s32 s1, $0x0;
	_ =	strace $0x90000047  }
0x172: {  	s0 =	sadd.s32 @!p0 $0x100000, s0;
	[bflag:$0x2] =	sbarrier.arrive $0xFFFF  }
0x173: {  	[sflag:s0] =	ssyncadd.tile.s32 @!p0 $0x1;
	_ =	shalt  }
.Lfunc_end2:
_tile_overlayer_lowered:
.L_overlay_start_2:
0x174: {  	(tag) =	ssettag $0x2  }
0x175: {  	s0 =	rddreg [dreg:$0x0];
	s2 =	stileid.u32  }
0x176: {  	s1 =	rddreg [dreg:$0x1];
	p0 =	sne.s32 s2, $0x0  }
0x177: {  	s3 =	rddreg [dreg:$0x2];
	[bflag:$0x3] =	sbarrier.arrive $0xFFFF;
	s2 =	simm.s32 @!p0 $0x1C02  }
0x178: {  	[timem:s3], [sflag:s2] =	dma.local @!p0 [hbm:s0], s1  }
0x179: {  	s0 =	simm.s32 @!p0 $0x2  }
0x17a: {  	_ =	swait.ge @!p0 [sflag:s0], s1  }
0x17b: {  	s1 =	ssub.s32 @!p0 $0x0, s1;
	[sflag:s0] =	ssyncset.done @!p0 $0x0  }
0x17c: {  	[sflag:s0] =	ssyncadd.s32 @!p0 s1  }
0x17d: {  	[bflag:$0x3] =	sbarrier.arrive $0xFFFF  }
0x17e: {  	_ =	shalt  }

</sc_bundles>
